<compile_context>
chip_gen: v7x
topology: tpu7x:2x2x1
jax: 0.10.2.dev20260603
libtpu: 0.0.44.dev20260713+nightly
codegen_flags: <defaults>
</compile_context>

<pallas_src>
import functools

import jax
import jax.numpy as jnp
from jax import lax
from jax.experimental import pallas as pl
from jax.experimental.pallas import tpu as pltpu
from jax.experimental.pallas import tpu_sc as plsc

_N = 16
_J = 128
_SEG = 1024
_K = 20
_COLS = _J * _SEG

_NC, _NS = 2, 16
_NW = _NC * _NS

_RSC = 8
_RTC = _N - _RSC
_WPR = _NW // _RSC
_SEGS_W = _J // _WPR
_ELEMS_W = _SEGS_W * _SEG
_GROUPS = _SEGS_W // 16
_CHUNK = 16 * _SEG

_DN = (((1,), (1,)), ((), ()))


def _sc_pool_body(x_hbm, out_hbm, buf, acc_ref, sem):
    wid = lax.axis_index("s") * _NC + lax.axis_index("c")
    row = wid // _WPR
    part = wid % _WPR
    pltpu.async_copy(x_hbm.at[row, pl.ds(part * _ELEMS_W, _ELEMS_W)], buf,
                     sem).wait()

    lane = lax.iota(jnp.int32, 16)

    def group_body(g, _):
        gbase = g * _CHUNK
        rbase = lane * (_SEG + 1) + gbase
        zero = jnp.zeros((16,), jnp.float32)

        def body(t, carry):
            accs, idx = list(carry[0]), carry[1]
            for u in range(16):
                accs[u % 4] = accs[u % 4] + plsc.load_gather(buf, [idx])
                idx = idx + 1
            return tuple(accs), idx

        accs, _ = lax.fori_loop(0, (_SEG - 16) // 16, body,
                                ((zero,) * 4, rbase))
        accs = list(accs)
        for i in range(_SEG - 16, _SEG):
            offs = jnp.full((16,), i, jnp.int32) + lane
            wrapped = jnp.where(offs >= _SEG, offs - _SEG, offs)
            accs[i % 4] = accs[i % 4] + plsc.load_gather(
                buf, [lane * _SEG + wrapped + gbase])
        acc_ref[pl.ds(g * 16, 16)] = (accs[0] + accs[1]) + (accs[2] + accs[3])
        return 0

    lax.fori_loop(0, _GROUPS, group_body, 0)

    pltpu.sync_copy(acc_ref, out_hbm.at[row, pl.ds(part * _SEGS_W, _SEGS_W)])


_sc_pool = functools.partial(
    pl.kernel,
    out_type=jax.ShapeDtypeStruct((_RSC, _J), jnp.float32),
    mesh=plsc.VectorSubcoreMesh(core_axis_name="c", subcore_axis_name="s",
                                num_cores=_NC, num_subcores=_NS),
    compiler_params=pltpu.CompilerParams(
        needs_layout_passes=False,
        disable_bounds_checks=True,
        disable_semaphore_checks=True,
    ),
    scratch_types=[
        pltpu.VMEM((_ELEMS_W,), jnp.float32),
        pltpu.VMEM((_SEGS_W,), jnp.float32),
        pltpu.SemaphoreType.DMA,
    ],
)(_sc_pool_body)

_GRID_TC = 2
_CBLK = _COLS // _GRID_TC
_JBLK = _J // _GRID_TC


def _fold_body(x_ref, v0, g0, b0, v1, g1, b1, v2, g2, b2, v3, g3, b3,
               fcv, fcg, fcb, stc_ref, mt_ref, bias_ref):
    hp = lax.Precision.HIGHEST
    i = pl.program_id(0)

    xb = x_ref[...].reshape(_RTC, _JBLK, _SEG)
    stc_ref[...] = jnp.sum(xb, axis=-1)[None]

    @pl.when(i == _GRID_TC - 1)
    def _():
        def wn(v, g, axis):
            n = jnp.sqrt(jnp.sum(v * v, axis=axis, keepdims=True) + 1e-12)
            return v * (g / n)

        W0 = wn(v0[...], g0[...], 0)
        W1 = wn(v1[...], g1[...], 0)
        W2 = wn(v2[...], g2[...], 0)
        W3 = wn(v3[...], g3[...], 0)

        a1 = jnp.dot(W0, W1, precision=hp)
        c1 = 4.0 * jnp.dot(b0[...], W1, precision=hp) + b1[...]
        a2 = a1 + jnp.dot(a1, W2, precision=hp)
        c2 = c1 + jnp.dot(c1, W2, precision=hp) + b2[...]
        a3 = jnp.dot(a2, W3, precision=hp)
        c3 = 128.0 * jnp.dot(c2, W3, precision=hp) + b3[...]

        fcw = wn(fcv[...], fcg[...], 1)
        fcw3 = fcw.reshape(_K, _J, 128)
        Mt = jnp.sum(fcw3 * a3[0][None, None, :], axis=-1)
        Mc = jnp.sum(fcw3 * c3[0][None, None, :], axis=-1)

        mt_ref[...] = Mt
        ones = jnp.ones((1, _J), jnp.float32)
        bias_ref[...] = lax.dot_general(ones, Mc, _DN, precision=hp) + fcb[...]


def _final_body(ssc_ref, stc_ref, mt_ref, bias_ref, out_ref):
    s_tc = jnp.concatenate([stc_ref[0], stc_ref[1]], axis=1)
    s = jnp.concatenate([ssc_ref[...], s_tc], axis=0)
    out_ref[...] = (
        lax.dot_general(s, mt_ref[...], _DN, precision=lax.Precision.HIGHEST)
        + bias_ref[...]
    )


def _full(shape):
    return pl.BlockSpec(shape, lambda i: (0,) * len(shape))


def kernel(x, V0, g0, b0, V1, g1, b1, V2, g2, b2, V3, g3, b3, fcV, fcg, fcb):
    s_sc = _sc_pool(x)

    wargs = (
        V0, g0.reshape(1, -1), b0.reshape(1, -1),
        V1, g1.reshape(1, -1), b1.reshape(1, -1),
        V2, g2.reshape(1, -1), b2.reshape(1, -1),
        V3, g3.reshape(1, -1), b3.reshape(1, -1),
        fcV, fcg.reshape(-1, 1), fcb.reshape(1, -1),
    )
    s_tc, mt, bias = pl.pallas_call(
        _fold_body,
        grid=(_GRID_TC,),
        in_specs=[pl.BlockSpec((_RTC, _CBLK), lambda i: (1, i))]
        + [_full(w.shape) for w in wargs],
        out_specs=[
            pl.BlockSpec((1, _RTC, _JBLK), lambda i: (i, 0, 0)),
            _full((_K, _J)),
            _full((1, _K)),
        ],
        out_shape=[
            jax.ShapeDtypeStruct((_GRID_TC, _RTC, _JBLK), jnp.float32),
            jax.ShapeDtypeStruct((_K, _J), jnp.float32),
            jax.ShapeDtypeStruct((1, _K), jnp.float32),
        ],
    )(x, *wargs)

    return pl.pallas_call(
        _final_body,
        out_shape=jax.ShapeDtypeStruct((_N, _K), jnp.float32),
    )(s_sc, s_tc, mt, bias)

# --- scband reference (transcript-rebuilt; emitter-appended) ---
"""Pipeline reference for scband-residual-classifier-27376121544992 (READ-ONLY COPY).

The authoritative reference and input builder live on the scoring server;
editing this copy changes nothing except your own understanding.
"""

import jax, jax.numpy as jnp
import numpy as np

N_BATCH = 16
NODE_SIZES = [131072, 65536, 16384, 16384, 128]
CH = [1, 32, 64, 64, 128]
N_CLASSES = 20

def _edges():
    e0 = jnp.arange(NODE_SIZES[0]); d0 = e0 // 2
    e1 = jnp.arange(NODE_SIZES[1]); d1 = e1 // 4
    e2 = jnp.arange(NODE_SIZES[2]); d2 = e2
    e3 = jnp.arange(NODE_SIZES[3]); d3 = e3 // 128
    return [(e0, d0), (e1, d1), (e2, d2), (e3, d3)]

def _fgl(x, src, dst, n_out, V, g, b):
    # weight-normed channel mixing after adjacency aggregation (FGL, reduction=sum)
    norm = jnp.sqrt(jnp.sum(V * V, axis=0, keepdims=True) + 1e-12)
    W = V * (g[None, :] / norm)
    h = x[:, src, :]                                   # gather over input nodes
    agg = jnp.zeros((x.shape[0], n_out, x.shape[2]), x.dtype).at[:, dst, :].add(h)  # scatter-add to output nodes
    return agg @ W + b

def setup_inputs(seed: int = 0) -> dict:
    key = jax.random.key(seed)
    ks = jax.random.split(key, 12)
    inp = {"x": jax.random.normal(ks[0], (N_BATCH, NODE_SIZES[0]), jnp.float32)}
    for i in range(4):
        cin, cout = CH[i], CH[i + 1]
        inp[f"V{i}"] = jax.random.normal(ks[1 + i], (cin, cout), jnp.float32) / np.sqrt(cin)
        inp[f"g{i}"] = jnp.ones((cout,), jnp.float32)
        inp[f"b{i}"] = jnp.zeros((cout,), jnp.float32)
    d_fc = NODE_SIZES[4] * CH[4]
    inp["fcV"] = jax.random.normal(ks[9], (N_CLASSES, d_fc), jnp.float32) / np.sqrt(d_fc)
    inp["fcg"] = jnp.ones((N_CLASSES,), jnp.float32)
    inp["fcb"] = jnp.zeros((N_CLASSES,), jnp.float32)
    return inp

def reference(x, V0, g0, b0, V1, g1, b1, V2, g2, b2, V3, g3, b3, fcV, fcg, fcb):
    edges = _edges()
    z = x[:, :, None]                                    # [N, nodes, C=1]
    z = _fgl(z, edges[0][0], edges[0][1], NODE_SIZES[1], V0, g0, b0)
    z = _fgl(z, edges[1][0], edges[1][1], NODE_SIZES[2], V1, g1, b1)
    res = _fgl(z, edges[2][0], edges[2][1], NODE_SIZES[3], V2, g2, b2)
    z = _fgl(z + res, edges[3][0], edges[3][1], NODE_SIZES[4], V3, g3, b3)
    zf = z.reshape(z.shape[0], -1)
    fn = jnp.sqrt(jnp.sum(fcV * fcV, axis=1, keepdims=True) + 1e-12)
    Wfc = fcV * (fcg[:, None] / fn)
    return zf @ Wfc.T + fcb

if __name__ == "__main__":
    import jax
    _d = setup_inputs()
    print(jax.jit(kernel)(*tuple(_d.values())))

</pallas_src>

<mosaic_0001>
#map = affine_map<(d0, d1) -> (0, 0)>
module attributes {stable_mosaic.version = 14 : i64} {
  func.func @_sc_pool_body(%arg0: i32, %arg1: i32, %arg2: memref<16x131072xf32, #tpu.memory_space<hbm>>, %arg3: memref<8x128xf32, #tpu.memory_space<hbm>>, %arg4: memref<32768xf32, #tpu.memory_space<vmem>>, %arg5: memref<32xf32, #tpu.memory_space<vmem>>, %arg6: memref<!tpu.dma_semaphore, #tpu.memory_space<semaphore_mem>>) attributes {dimension_semantics = [#tpu.dimension_semantics<core_parallel>, #tpu.dimension_semantics<subcore_parallel>], iteration_bounds = array<i64: 2, 16>, scalar_prefetch = 0 : i64, scratch_operands = 3 : i64, tpu.core_type = #tpu.core_type<sc_vector_subcore>, window_params = [{transform_indices = #map}, {transform_indices = #map}]} {
    %mul3A = arith.constant 2 : i32
    %mul3A_0 = arith.muli %arg1, %mul3A : i32
    %add3A = arith.addi %mul3A_0, %arg0 : i32
    %jit3A = arith.constant 4 : i32
    %div3A = arith.divsi %add3A, %jit3A : i32
    %sign3A = arith.constant 0 : i32
    %sign3A_1 = arith.cmpi sgt, %add3A, %sign3A : i32
    %sign3A_2 = arith.extui %sign3A_1 : i1 to i32
    %sign3A_3 = arith.constant 0 : i32
    %sign3A_4 = arith.cmpi slt, %add3A, %sign3A_3 : i32
    %sign3A_5 = arith.extui %sign3A_4 : i1 to i32
    %sign3A_6 = arith.subi %sign3A_2, %sign3A_5 : i32
    %sign3A_7 = arith.constant 0 : i32
    %sign3A_8 = arith.cmpi sgt, %jit3A, %sign3A_7 : i32
    %sign3A_9 = arith.extui %sign3A_8 : i1 to i32
    %sign3A_10 = arith.constant 0 : i32
    %sign3A_11 = arith.cmpi slt, %jit3A, %sign3A_10 : i32
    %sign3A_12 = arith.extui %sign3A_11 : i1 to i32
    %sign3A_13 = arith.subi %sign3A_9, %sign3A_12 : i32
    %ne3A = arith.cmpi ne, %sign3A_6, %sign3A_13 : i32
    %rem3A = arith.remsi %add3A, %jit3A : i32
    %ne3A_14 = arith.constant 0 : i32
    %ne3A_15 = arith.cmpi ne, %rem3A, %ne3A_14 : i32
    %and3A = arith.andi %ne3A, %ne3A_15 : i1
    %sub3A = arith.constant 1 : i32
    %sub3A_16 = arith.subi %div3A, %sub3A : i32
    %select_n3A = arith.select %and3A, %sub3A_16, %div3A : i32
    %jit3A_17 = arith.constant 4 : i32
    %eq3A = arith.constant 0 : i32
    %eq3A_18 = arith.cmpi eq, %jit3A_17, %eq3A : i32
    %jit3A_19 = arith.constant 1 : i32
    %select_n3A_20 = arith.select %eq3A_18, %jit3A_19, %jit3A_17 : i32
    %rem3A_21 = arith.remsi %add3A, %select_n3A_20 : i32
    %ne3A_22 = arith.constant 0 : i32
    %ne3A_23 = arith.cmpi ne, %rem3A_21, %ne3A_22 : i32
    %lt3A = arith.constant 0 : i32
    %lt3A_24 = arith.cmpi slt, %rem3A_21, %lt3A : i32
    %lt3A_25 = arith.constant 0 : i32
    %lt3A_26 = arith.cmpi slt, %select_n3A_20, %lt3A_25 : i32
    %ne3A_27 = arith.xori %lt3A_24, %lt3A_26 : i1
    %and3A_28 = arith.andi %ne3A_27, %ne3A_23 : i1
    %add3A_29 = arith.addi %rem3A_21, %select_n3A_20 : i32
    %select_n3A_30 = arith.select %and3A_28, %add3A_29, %rem3A_21 : i32
    %mul3A_31 = arith.constant 32768 : i32
    %mul3A_32 = arith.muli %select_n3A_30, %mul3A_31 : i32
    %dma_start3A = tpu.memref_slice %arg2[%select_n3A, %mul3A_32] : memref<16x131072xf32, #tpu.memory_space<hbm>> -> memref<1x32768xf32, #tpu.memory_space<hbm>>
    %dma_start3A_33 = tpu.memref_squeeze %dma_start3A : memref<1x32768xf32, #tpu.memory_space<hbm>> -> memref<32768xf32, #tpu.memory_space<hbm>>
    %dma_start3A_34 = tpu.memref_slice %arg2[%select_n3A, %mul3A_32] : memref<16x131072xf32, #tpu.memory_space<hbm>> -> memref<1x32768xf32, #tpu.memory_space<hbm>>
    %dma_start3A_35 = tpu.memref_squeeze %dma_start3A_34 : memref<1x32768xf32, #tpu.memory_space<hbm>> -> memref<32768xf32, #tpu.memory_space<hbm>>
    tpu.enqueue_dma source(%dma_start3A_35 : memref<32768xf32, #tpu.memory_space<hbm>>) target(%arg4 : memref<32768xf32, #tpu.memory_space<vmem>>) target_semaphore(%arg6 : memref<!tpu.dma_semaphore, #tpu.memory_space<semaphore_mem>>)
    %dma_wait3A = tpu.memref_slice %arg2[%select_n3A, %mul3A_32] : memref<16x131072xf32, #tpu.memory_space<hbm>> -> memref<1x32768xf32, #tpu.memory_space<hbm>>
    %dma_wait3A_36 = tpu.memref_squeeze %dma_wait3A : memref<1x32768xf32, #tpu.memory_space<hbm>> -> memref<32768xf32, #tpu.memory_space<hbm>>
    %dma_wait3A_37 = tpu.memref_slice %arg2[%select_n3A, %mul3A_32] : memref<16x131072xf32, #tpu.memory_space<hbm>> -> memref<1x32768xf32, #tpu.memory_space<hbm>>
    %dma_wait3A_38 = tpu.memref_squeeze %dma_wait3A_37 : memref<1x32768xf32, #tpu.memory_space<hbm>> -> memref<32768xf32, #tpu.memory_space<hbm>>
    tpu.wait_dma2 semaphore(%arg6 : memref<!tpu.dma_semaphore, #tpu.memory_space<semaphore_mem>>) src(%dma_wait3A_38 : memref<32768xf32, #tpu.memory_space<hbm>>) dst(%arg4 : memref<32768xf32, #tpu.memory_space<vmem>>)
    %iota3A = tpu.iota {dimensions = array<i32: 0>} : vector<16xi32>
    %scan3A = arith.constant 0 : i32
    %scan3A_39 = arith.constant 0 : i32
    %scan3A_40 = arith.constant 2 : i32
    %scan3A_41 = arith.addi %scan3A_39, %scan3A_40 : i32
    %scan3A_42 = arith.constant 1 : i32
    %scan3A_43 = scf.for %scan3A_47 = %scan3A_39 to %scan3A_41 step %scan3A_42 iter_args(%scan3A_48 = %scan3A) -> (i32)  : i32 {
      %mul3A_49 = arith.constant 16384 : i32
      %mul3A_50 = arith.muli %scan3A_47, %mul3A_49 : i32
      %mul3A_51 = arith.constant 1025 : i32
      %mul3A_52 = vector.broadcast %mul3A_51 : i32 to vector<16xi32>
      %mul3A_53 = arith.muli %iota3A, %mul3A_52 : vector<16xi32>
      %add3A_54 = vector.broadcast %mul3A_50 : i32 to vector<16xi32>
      %add3A_55 = arith.addi %mul3A_53, %add3A_54 : vector<16xi32>
      %broadcast_in_dim3A = arith.constant 0.000000e+00 : f32
      %broadcast_in_dim3A_56 = vector.broadcast %broadcast_in_dim3A : f32 to vector<16xf32>
      %scan3A_57 = arith.constant 0 : i32
      %scan3A_58 = arith.constant 63 : i32
      %scan3A_59 = arith.addi %scan3A_57, %scan3A_58 : i32
      %scan3A_60 = arith.constant 1 : i32
      %scan3A_61:5 = scf.for %scan3A_356 = %scan3A_57 to %scan3A_59 step %scan3A_60 iter_args(%scan3A_357 = %broadcast_in_dim3A_56, %scan3A_358 = %broadcast_in_dim3A_56, %scan3A_359 = %broadcast_in_dim3A_56, %scan3A_360 = %broadcast_in_dim3A_56, %scan3A_361 = %add3A_55) -> (vector<16xf32>, vector<16xf32>, vector<16xf32>, vector<16xf32>, vector<16xi32>)  : i32 {
        %gather3A_362 = tpu.vector_load_idx %arg4[%scan3A_361] : memref<32768xf32, #tpu.memory_space<vmem>>[vector<16xi32>], vector<16xf32>,
        %add3A_363 = arith.addf %scan3A_357, %gather3A_362 : vector<16xf32>
        %add3A_364 = arith.constant 1 : i32
        %add3A_365 = vector.broadcast %add3A_364 : i32 to vector<16xi32>
        %add3A_366 = arith.addi %scan3A_361, %add3A_365 : vector<16xi32>
        %gather3A_367 = tpu.vector_load_idx %arg4[%add3A_366] : memref<32768xf32, #tpu.memory_space<vmem>>[vector<16xi32>], vector<16xf32>,
        %add3A_368 = arith.addf %scan3A_358, %gather3A_367 : vector<16xf32>
        %add3A_369 = arith.constant 1 : i32
        %add3A_370 = vector.broadcast %add3A_369 : i32 to vector<16xi32>
        %add3A_371 = arith.addi %add3A_366, %add3A_370 : vector<16xi32>
        %gather3A_372 = tpu.vector_load_idx %arg4[%add3A_371] : memref<32768xf32, #tpu.memory_space<vmem>>[vector<16xi32>], vector<16xf32>,
        %add3A_373 = arith.addf %scan3A_359, %gather3A_372 : vector<16xf32>
        %add3A_374 = arith.constant 1 : i32
        %add3A_375 = vector.broadcast %add3A_374 : i32 to vector<16xi32>
        %add3A_376 = arith.addi %add3A_371, %add3A_375 : vector<16xi32>
        %gather3A_377 = tpu.vector_load_idx %arg4[%add3A_376] : memref<32768xf32, #tpu.memory_space<vmem>>[vector<16xi32>], vector<16xf32>,
        %add3A_378 = arith.addf %scan3A_360, %gather3A_377 : vector<16xf32>
        %add3A_379 = arith.constant 1 : i32
        %add3A_380 = vector.broadcast %add3A_379 : i32 to vector<16xi32>
        %add3A_381 = arith.addi %add3A_376, %add3A_380 : vector<16xi32>
        %gather3A_382 = tpu.vector_load_idx %arg4[%add3A_381] : memref<32768xf32, #tpu.memory_space<vmem>>[vector<16xi32>], vector<16xf32>,
        %add3A_383 = arith.addf %add3A_363, %gather3A_382 : vector<16xf32>
        %add3A_384 = arith.constant 1 : i32
        %add3A_385 = vector.broadcast %add3A_384 : i32 to vector<16xi32>
        %add3A_386 = arith.addi %add3A_381, %add3A_385 : vector<16xi32>
        %gather3A_387 = tpu.vector_load_idx %arg4[%add3A_386] : memref<32768xf32, #tpu.memory_space<vmem>>[vector<16xi32>], vector<16xf32>,
        %add3A_388 = arith.addf %add3A_368, %gather3A_387 : vector<16xf32>
        %add3A_389 = arith.constant 1 : i32
        %add3A_390 = vector.broadcast %add3A_389 : i32 to vector<16xi32>
        %add3A_391 = arith.addi %add3A_386, %add3A_390 : vector<16xi32>
        %gather3A_392 = tpu.vector_load_idx %arg4[%add3A_391] : memref<32768xf32, #tpu.memory_space<vmem>>[vector<16xi32>], vector<16xf32>,
        %add3A_393 = arith.addf %add3A_373, %gather3A_392 : vector<16xf32>
        %add3A_394 = arith.constant 1 : i32
        %add3A_395 = vector.broadcast %add3A_394 : i32 to vector<16xi32>
        %add3A_396 = arith.addi %add3A_391, %add3A_395 : vector<16xi32>
        %gather3A_397 = tpu.vector_load_idx %arg4[%add3A_396] : memref<32768xf32, #tpu.memory_space<vmem>>[vector<16xi32>], vector<16xf32>,
        %add3A_398 = arith.addf %add3A_378, %gather3A_397 : vector<16xf32>
        %add3A_399 = arith.constant 1 : i32
        %add3A_400 = vector.broadcast %add3A_399 : i32 to vector<16xi32>
        %add3A_401 = arith.addi %add3A_396, %add3A_400 : vector<16xi32>
        %gather3A_402 = tpu.vector_load_idx %arg4[%add3A_401] : memref<32768xf32, #tpu.memory_space<vmem>>[vector<16xi32>], vector<16xf32>,
        %add3A_403 = arith.addf %add3A_383, %gather3A_402 : vector<16xf32>
        %add3A_404 = arith.constant 1 : i32
        %add3A_405 = vector.broadcast %add3A_404 : i32 to vector<16xi32>
        %add3A_406 = arith.addi %add3A_401, %add3A_405 : vector<16xi32>
        %gather3A_407 = tpu.vector_load_idx %arg4[%add3A_406] : memref<32768xf32, #tpu.memory_space<vmem>>[vector<16xi32>], vector<16xf32>,
        %add3A_408 = arith.addf %add3A_388, %gather3A_407 : vector<16xf32>
        %add3A_409 = arith.constant 1 : i32
        %add3A_410 = vector.broadcast %add3A_409 : i32 to vector<16xi32>
        %add3A_411 = arith.addi %add3A_406, %add3A_410 : vector<16xi32>
        %gather3A_412 = tpu.vector_load_idx %arg4[%add3A_411] : memref<32768xf32, #tpu.memory_space<vmem>>[vector<16xi32>], vector<16xf32>,
        %add3A_413 = arith.addf %add3A_393, %gather3A_412 : vector<16xf32>
        %add3A_414 = arith.constant 1 : i32
        %add3A_415 = vector.broadcast %add3A_414 : i32 to vector<16xi32>
        %add3A_416 = arith.addi %add3A_411, %add3A_415 : vector<16xi32>
        %gather3A_417 = tpu.vector_load_idx %arg4[%add3A_416] : memref<32768xf32, #tpu.memory_space<vmem>>[vector<16xi32>], vector<16xf32>,
        %add3A_418 = arith.addf %add3A_398, %gather3A_417 : vector<16xf32>
        %add3A_419 = arith.constant 1 : i32
        %add3A_420 = vector.broadcast %add3A_419 : i32 to vector<16xi32>
        %add3A_421 = arith.addi %add3A_416, %add3A_420 : vector<16xi32>
        %gather3A_422 = tpu.vector_load_idx %arg4[%add3A_421] : memref<32768xf32, #tpu.memory_space<vmem>>[vector<16xi32>], vector<16xf32>,
        %add3A_423 = arith.addf %add3A_403, %gather3A_422 : vector<16xf32>
        %add3A_424 = arith.constant 1 : i32
        %add3A_425 = vector.broadcast %add3A_424 : i32 to vector<16xi32>
        %add3A_426 = arith.addi %add3A_421, %add3A_425 : vector<16xi32>
        %gather3A_427 = tpu.vector_load_idx %arg4[%add3A_426] : memref<32768xf32, #tpu.memory_space<vmem>>[vector<16xi32>], vector<16xf32>,
        %add3A_428 = arith.addf %add3A_408, %gather3A_427 : vector<16xf32>
        %add3A_429 = arith.constant 1 : i32
        %add3A_430 = vector.broadcast %add3A_429 : i32 to vector<16xi32>
        %add3A_431 = arith.addi %add3A_426, %add3A_430 : vector<16xi32>
        %gather3A_432 = tpu.vector_load_idx %arg4[%add3A_431] : memref<32768xf32, #tpu.memory_space<vmem>>[vector<16xi32>], vector<16xf32>,
        %add3A_433 = arith.addf %add3A_413, %gather3A_432 : vector<16xf32>
        %add3A_434 = arith.constant 1 : i32
        %add3A_435 = vector.broadcast %add3A_434 : i32 to vector<16xi32>
        %add3A_436 = arith.addi %add3A_431, %add3A_435 : vector<16xi32>
        %gather3A_437 = tpu.vector_load_idx %arg4[%add3A_436] : memref<32768xf32, #tpu.memory_space<vmem>>[vector<16xi32>], vector<16xf32>,
        %add3A_438 = arith.addf %add3A_418, %gather3A_437 : vector<16xf32>
        %add3A_439 = arith.constant 1 : i32
        %add3A_440 = vector.broadcast %add3A_439 : i32 to vector<16xi32>
        %add3A_441 = arith.addi %add3A_436, %add3A_440 : vector<16xi32>
        scf.yield %add3A_423, %add3A_428, %add3A_433, %add3A_438, %add3A_441 : vector<16xf32>, vector<16xf32>, vector<16xf32>, vector<16xf32>, vector<16xi32>
      }
      %scan3A_62 = arith.constant 63 : i32
      %broadcast_in_dim3A_63 = arith.constant 1008 : i32
      %broadcast_in_dim3A_64 = vector.broadcast %broadcast_in_dim3A_63 : i32 to vector<16xi32>
      %add3A_65 = arith.addi %broadcast_in_dim3A_64, %iota3A : vector<16xi32>
      %ge3A = arith.constant 1024 : i32
      %ge3A_66 = vector.broadcast %ge3A : i32 to vector<16xi32>
      %ge3A_67 = arith.cmpi sge, %add3A_65, %ge3A_66 : vector<16xi32>
      %sub3A_68 = arith.constant 1024 : i32
      %sub3A_69 = vector.broadcast %sub3A_68 : i32 to vector<16xi32>
      %sub3A_70 = arith.subi %add3A_65, %sub3A_69 : vector<16xi32>
      %select_n3A_71 = arith.select %ge3A_67, %sub3A_70, %add3A_65 : vector<16xi1>, vector<16xi32>
      %mul3A_72 = arith.constant 1024 : i32
      %mul3A_73 = vector.broadcast %mul3A_72 : i32 to vector<16xi32>
      %mul3A_74 = arith.muli %iota3A, %mul3A_73 : vector<16xi32>
      %add3A_75 = arith.addi %mul3A_74, %select_n3A_71 : vector<16xi32>
      %add3A_76 = vector.broadcast %mul3A_50 : i32 to vector<16xi32>
      %add3A_77 = arith.addi %add3A_75, %add3A_76 : vector<16xi32>
      %gather3A = tpu.vector_load_idx %arg4[%add3A_77] : memref<32768xf32, #tpu.memory_space<vmem>>[vector<16xi32>], vector<16xf32>,
      %add3A_78 = arith.addf %scan3A_61#0, %gather3A : vector<16xf32>
      %broadcast_in_dim3A_79 = arith.constant 1009 : i32
      %broadcast_in_dim3A_80 = vector.broadcast %broadcast_in_dim3A_79 : i32 to vector<16xi32>
      %add3A_81 = arith.addi %broadcast_in_dim3A_80, %iota3A : vector<16xi32>
      %ge3A_82 = arith.constant 1024 : i32
      %ge3A_83 = vector.broadcast %ge3A_82 : i32 to vector<16xi32>
      %ge3A_84 = arith.cmpi sge, %add3A_81, %ge3A_83 : vector<16xi32>
      %sub3A_85 = arith.constant 1024 : i32
      %sub3A_86 = vector.broadcast %sub3A_85 : i32 to vector<16xi32>
      %sub3A_87 = arith.subi %add3A_81, %sub3A_86 : vector<16xi32>
      %select_n3A_88 = arith.select %ge3A_84, %sub3A_87, %add3A_81 : vector<16xi1>, vector<16xi32>
      %mul3A_89 = arith.constant 1024 : i32
      %mul3A_90 = vector.broadcast %mul3A_89 : i32 to vector<16xi32>
      %mul3A_91 = arith.muli %iota3A, %mul3A_90 : vector<16xi32>
      %add3A_92 = arith.addi %mul3A_91, %select_n3A_88 : vector<16xi32>
      %add3A_93 = vector.broadcast %mul3A_50 : i32 to vector<16xi32>
      %add3A_94 = arith.addi %add3A_92, %add3A_93 : vector<16xi32>
      %gather3A_95 = tpu.vector_load_idx %arg4[%add3A_94] : memref<32768xf32, #tpu.memory_space<vmem>>[vector<16xi32>], vector<16xf32>,
      %add3A_96 = arith.addf %scan3A_61#1, %gather3A_95 : vector<16xf32>
      %broadcast_in_dim3A_97 = arith.constant 1010 : i32
      %broadcast_in_dim3A_98 = vector.broadcast %broadcast_in_dim3A_97 : i32 to vector<16xi32>
      %add3A_99 = arith.addi %broadcast_in_dim3A_98, %iota3A : vector<16xi32>
      %ge3A_100 = arith.constant 1024 : i32
      %ge3A_101 = vector.broadcast %ge3A_100 : i32 to vector<16xi32>
      %ge3A_102 = arith.cmpi sge, %add3A_99, %ge3A_101 : vector<16xi32>
      %sub3A_103 = arith.constant 1024 : i32
      %sub3A_104 = vector.broadcast %sub3A_103 : i32 to vector<16xi32>
      %sub3A_105 = arith.subi %add3A_99, %sub3A_104 : vector<16xi32>
      %select_n3A_106 = arith.select %ge3A_102, %sub3A_105, %add3A_99 : vector<16xi1>, vector<16xi32>
      %mul3A_107 = arith.constant 1024 : i32
      %mul3A_108 = vector.broadcast %mul3A_107 : i32 to vector<16xi32>
      %mul3A_109 = arith.muli %iota3A, %mul3A_108 : vector<16xi32>
      %add3A_110 = arith.addi %mul3A_109, %select_n3A_106 : vector<16xi32>
      %add3A_111 = vector.broadcast %mul3A_50 : i32 to vector<16xi32>
      %add3A_112 = arith.addi %add3A_110, %add3A_111 : vector<16xi32>
      %gather3A_113 = tpu.vector_load_idx %arg4[%add3A_112] : memref<32768xf32, #tpu.memory_space<vmem>>[vector<16xi32>], vector<16xf32>,
      %add3A_114 = arith.addf %scan3A_61#2, %gather3A_113 : vector<16xf32>
      %broadcast_in_dim3A_115 = arith.constant 1011 : i32
      %broadcast_in_dim3A_116 = vector.broadcast %broadcast_in_dim3A_115 : i32 to vector<16xi32>
      %add3A_117 = arith.addi %broadcast_in_dim3A_116, %iota3A : vector<16xi32>
      %ge3A_118 = arith.constant 1024 : i32
      %ge3A_119 = vector.broadcast %ge3A_118 : i32 to vector<16xi32>
      %ge3A_120 = arith.cmpi sge, %add3A_117, %ge3A_119 : vector<16xi32>
      %sub3A_121 = arith.constant 1024 : i32
      %sub3A_122 = vector.broadcast %sub3A_121 : i32 to vector<16xi32>
      %sub3A_123 = arith.subi %add3A_117, %sub3A_122 : vector<16xi32>
      %select_n3A_124 = arith.select %ge3A_120, %sub3A_123, %add3A_117 : vector<16xi1>, vector<16xi32>
      %mul3A_125 = arith.constant 1024 : i32
      %mul3A_126 = vector.broadcast %mul3A_125 : i32 to vector<16xi32>
      %mul3A_127 = arith.muli %iota3A, %mul3A_126 : vector<16xi32>
      %add3A_128 = arith.addi %mul3A_127, %select_n3A_124 : vector<16xi32>
      %add3A_129 = vector.broadcast %mul3A_50 : i32 to vector<16xi32>
      %add3A_130 = arith.addi %add3A_128, %add3A_129 : vector<16xi32>
      %gather3A_131 = tpu.vector_load_idx %arg4[%add3A_130] : memref<32768xf32, #tpu.memory_space<vmem>>[vector<16xi32>], vector<16xf32>,
      %add3A_132 = arith.addf %scan3A_61#3, %gather3A_131 : vector<16xf32>
      %broadcast_in_dim3A_133 = arith.constant 1012 : i32
      %broadcast_in_dim3A_134 = vector.broadcast %broadcast_in_dim3A_133 : i32 to vector<16xi32>
      %add3A_135 = arith.addi %broadcast_in_dim3A_134, %iota3A : vector<16xi32>
      %ge3A_136 = arith.constant 1024 : i32
      %ge3A_137 = vector.broadcast %ge3A_136 : i32 to vector<16xi32>
      %ge3A_138 = arith.cmpi sge, %add3A_135, %ge3A_137 : vector<16xi32>
      %sub3A_139 = arith.constant 1024 : i32
      %sub3A_140 = vector.broadcast %sub3A_139 : i32 to vector<16xi32>
      %sub3A_141 = arith.subi %add3A_135, %sub3A_140 : vector<16xi32>
      %select_n3A_142 = arith.select %ge3A_138, %sub3A_141, %add3A_135 : vector<16xi1>, vector<16xi32>
      %mul3A_143 = arith.constant 1024 : i32
      %mul3A_144 = vector.broadcast %mul3A_143 : i32 to vector<16xi32>
      %mul3A_145 = arith.muli %iota3A, %mul3A_144 : vector<16xi32>
      %add3A_146 = arith.addi %mul3A_145, %select_n3A_142 : vector<16xi32>
      %add3A_147 = vector.broadcast %mul3A_50 : i32 to vector<16xi32>
      %add3A_148 = arith.addi %add3A_146, %add3A_147 : vector<16xi32>
      %gather3A_149 = tpu.vector_load_idx %arg4[%add3A_148] : memref<32768xf32, #tpu.memory_space<vmem>>[vector<16xi32>], vector<16xf32>,
      %add3A_150 = arith.addf %add3A_78, %gather3A_149 : vector<16xf32>
      %broadcast_in_dim3A_151 = arith.constant 1013 : i32
      %broadcast_in_dim3A_152 = vector.broadcast %broadcast_in_dim3A_151 : i32 to vector<16xi32>
      %add3A_153 = arith.addi %broadcast_in_dim3A_152, %iota3A : vector<16xi32>
      %ge3A_154 = arith.constant 1024 : i32
      %ge3A_155 = vector.broadcast %ge3A_154 : i32 to vector<16xi32>
      %ge3A_156 = arith.cmpi sge, %add3A_153, %ge3A_155 : vector<16xi32>
      %sub3A_157 = arith.constant 1024 : i32
      %sub3A_158 = vector.broadcast %sub3A_157 : i32 to vector<16xi32>
      %sub3A_159 = arith.subi %add3A_153, %sub3A_158 : vector<16xi32>
      %select_n3A_160 = arith.select %ge3A_156, %sub3A_159, %add3A_153 : vector<16xi1>, vector<16xi32>
      %mul3A_161 = arith.constant 1024 : i32
      %mul3A_162 = vector.broadcast %mul3A_161 : i32 to vector<16xi32>
      %mul3A_163 = arith.muli %iota3A, %mul3A_162 : vector<16xi32>
      %add3A_164 = arith.addi %mul3A_163, %select_n3A_160 : vector<16xi32>
      %add3A_165 = vector.broadcast %mul3A_50 : i32 to vector<16xi32>
      %add3A_166 = arith.addi %add3A_164, %add3A_165 : vector<16xi32>
      %gather3A_167 = tpu.vector_load_idx %arg4[%add3A_166] : memref<32768xf32, #tpu.memory_space<vmem>>[vector<16xi32>], vector<16xf32>,
      %add3A_168 = arith.addf %add3A_96, %gather3A_167 : vector<16xf32>
      %broadcast_in_dim3A_169 = arith.constant 1014 : i32
      %broadcast_in_dim3A_170 = vector.broadcast %broadcast_in_dim3A_169 : i32 to vector<16xi32>
      %add3A_171 = arith.addi %broadcast_in_dim3A_170, %iota3A : vector<16xi32>
      %ge3A_172 = arith.constant 1024 : i32
      %ge3A_173 = vector.broadcast %ge3A_172 : i32 to vector<16xi32>
      %ge3A_174 = arith.cmpi sge, %add3A_171, %ge3A_173 : vector<16xi32>
      %sub3A_175 = arith.constant 1024 : i32
      %sub3A_176 = vector.broadcast %sub3A_175 : i32 to vector<16xi32>
      %sub3A_177 = arith.subi %add3A_171, %sub3A_176 : vector<16xi32>
      %select_n3A_178 = arith.select %ge3A_174, %sub3A_177, %add3A_171 : vector<16xi1>, vector<16xi32>
      %mul3A_179 = arith.constant 1024 : i32
      %mul3A_180 = vector.broadcast %mul3A_179 : i32 to vector<16xi32>
      %mul3A_181 = arith.muli %iota3A, %mul3A_180 : vector<16xi32>
      %add3A_182 = arith.addi %mul3A_181, %select_n3A_178 : vector<16xi32>
      %add3A_183 = vector.broadcast %mul3A_50 : i32 to vector<16xi32>
      %add3A_184 = arith.addi %add3A_182, %add3A_183 : vector<16xi32>
      %gather3A_185 = tpu.vector_load_idx %arg4[%add3A_184] : memref<32768xf32, #tpu.memory_space<vmem>>[vector<16xi32>], vector<16xf32>,
      %add3A_186 = arith.addf %add3A_114, %gather3A_185 : vector<16xf32>
      %broadcast_in_dim3A_187 = arith.constant 1015 : i32
      %broadcast_in_dim3A_188 = vector.broadcast %broadcast_in_dim3A_187 : i32 to vector<16xi32>
      %add3A_189 = arith.addi %broadcast_in_dim3A_188, %iota3A : vector<16xi32>
      %ge3A_190 = arith.constant 1024 : i32
      %ge3A_191 = vector.broadcast %ge3A_190 : i32 to vector<16xi32>
      %ge3A_192 = arith.cmpi sge, %add3A_189, %ge3A_191 : vector<16xi32>
      %sub3A_193 = arith.constant 1024 : i32
      %sub3A_194 = vector.broadcast %sub3A_193 : i32 to vector<16xi32>
      %sub3A_195 = arith.subi %add3A_189, %sub3A_194 : vector<16xi32>
      %select_n3A_196 = arith.select %ge3A_192, %sub3A_195, %add3A_189 : vector<16xi1>, vector<16xi32>
      %mul3A_197 = arith.constant 1024 : i32
      %mul3A_198 = vector.broadcast %mul3A_197 : i32 to vector<16xi32>
      %mul3A_199 = arith.muli %iota3A, %mul3A_198 : vector<16xi32>
      %add3A_200 = arith.addi %mul3A_199, %select_n3A_196 : vector<16xi32>
      %add3A_201 = vector.broadcast %mul3A_50 : i32 to vector<16xi32>
      %add3A_202 = arith.addi %add3A_200, %add3A_201 : vector<16xi32>
      %gather3A_203 = tpu.vector_load_idx %arg4[%add3A_202] : memref<32768xf32, #tpu.memory_space<vmem>>[vector<16xi32>], vector<16xf32>,
      %add3A_204 = arith.addf %add3A_132, %gather3A_203 : vector<16xf32>
      %broadcast_in_dim3A_205 = arith.constant 1016 : i32
      %broadcast_in_dim3A_206 = vector.broadcast %broadcast_in_dim3A_205 : i32 to vector<16xi32>
      %add3A_207 = arith.addi %broadcast_in_dim3A_206, %iota3A : vector<16xi32>
      %ge3A_208 = arith.constant 1024 : i32
      %ge3A_209 = vector.broadcast %ge3A_208 : i32 to vector<16xi32>
      %ge3A_210 = arith.cmpi sge, %add3A_207, %ge3A_209 : vector<16xi32>
      %sub3A_211 = arith.constant 1024 : i32
      %sub3A_212 = vector.broadcast %sub3A_211 : i32 to vector<16xi32>
      %sub3A_213 = arith.subi %add3A_207, %sub3A_212 : vector<16xi32>
      %select_n3A_214 = arith.select %ge3A_210, %sub3A_213, %add3A_207 : vector<16xi1>, vector<16xi32>
      %mul3A_215 = arith.constant 1024 : i32
      %mul3A_216 = vector.broadcast %mul3A_215 : i32 to vector<16xi32>
      %mul3A_217 = arith.muli %iota3A, %mul3A_216 : vector<16xi32>
      %add3A_218 = arith.addi %mul3A_217, %select_n3A_214 : vector<16xi32>
      %add3A_219 = vector.broadcast %mul3A_50 : i32 to vector<16xi32>
      %add3A_220 = arith.addi %add3A_218, %add3A_219 : vector<16xi32>
      %gather3A_221 = tpu.vector_load_idx %arg4[%add3A_220] : memref<32768xf32, #tpu.memory_space<vmem>>[vector<16xi32>], vector<16xf32>,
      %add3A_222 = arith.addf %add3A_150, %gather3A_221 : vector<16xf32>
      %broadcast_in_dim3A_223 = arith.constant 1017 : i32
      %broadcast_in_dim3A_224 = vector.broadcast %broadcast_in_dim3A_223 : i32 to vector<16xi32>
      %add3A_225 = arith.addi %broadcast_in_dim3A_224, %iota3A : vector<16xi32>
      %ge3A_226 = arith.constant 1024 : i32
      %ge3A_227 = vector.broadcast %ge3A_226 : i32 to vector<16xi32>
      %ge3A_228 = arith.cmpi sge, %add3A_225, %ge3A_227 : vector<16xi32>
      %sub3A_229 = arith.constant 1024 : i32
      %sub3A_230 = vector.broadcast %sub3A_229 : i32 to vector<16xi32>
      %sub3A_231 = arith.subi %add3A_225, %sub3A_230 : vector<16xi32>
      %select_n3A_232 = arith.select %ge3A_228, %sub3A_231, %add3A_225 : vector<16xi1>, vector<16xi32>
      %mul3A_233 = arith.constant 1024 : i32
      %mul3A_234 = vector.broadcast %mul3A_233 : i32 to vector<16xi32>
      %mul3A_235 = arith.muli %iota3A, %mul3A_234 : vector<16xi32>
      %add3A_236 = arith.addi %mul3A_235, %select_n3A_232 : vector<16xi32>
      %add3A_237 = vector.broadcast %mul3A_50 : i32 to vector<16xi32>
      %add3A_238 = arith.addi %add3A_236, %add3A_237 : vector<16xi32>
      %gather3A_239 = tpu.vector_load_idx %arg4[%add3A_238] : memref<32768xf32, #tpu.memory_space<vmem>>[vector<16xi32>], vector<16xf32>,
      %add3A_240 = arith.addf %add3A_168, %gather3A_239 : vector<16xf32>
      %broadcast_in_dim3A_241 = arith.constant 1018 : i32
      %broadcast_in_dim3A_242 = vector.broadcast %broadcast_in_dim3A_241 : i32 to vector<16xi32>
      %add3A_243 = arith.addi %broadcast_in_dim3A_242, %iota3A : vector<16xi32>
      %ge3A_244 = arith.constant 1024 : i32
      %ge3A_245 = vector.broadcast %ge3A_244 : i32 to vector<16xi32>
      %ge3A_246 = arith.cmpi sge, %add3A_243, %ge3A_245 : vector<16xi32>
      %sub3A_247 = arith.constant 1024 : i32
      %sub3A_248 = vector.broadcast %sub3A_247 : i32 to vector<16xi32>
      %sub3A_249 = arith.subi %add3A_243, %sub3A_248 : vector<16xi32>
      %select_n3A_250 = arith.select %ge3A_246, %sub3A_249, %add3A_243 : vector<16xi1>, vector<16xi32>
      %mul3A_251 = arith.constant 1024 : i32
      %mul3A_252 = vector.broadcast %mul3A_251 : i32 to vector<16xi32>
      %mul3A_253 = arith.muli %iota3A, %mul3A_252 : vector<16xi32>
      %add3A_254 = arith.addi %mul3A_253, %select_n3A_250 : vector<16xi32>
      %add3A_255 = vector.broadcast %mul3A_50 : i32 to vector<16xi32>
      %add3A_256 = arith.addi %add3A_254, %add3A_255 : vector<16xi32>
      %gather3A_257 = tpu.vector_load_idx %arg4[%add3A_256] : memref<32768xf32, #tpu.memory_space<vmem>>[vector<16xi32>], vector<16xf32>,
      %add3A_258 = arith.addf %add3A_186, %gather3A_257 : vector<16xf32>
      %broadcast_in_dim3A_259 = arith.constant 1019 : i32
      %broadcast_in_dim3A_260 = vector.broadcast %broadcast_in_dim3A_259 : i32 to vector<16xi32>
      %add3A_261 = arith.addi %broadcast_in_dim3A_260, %iota3A : vector<16xi32>
      %ge3A_262 = arith.constant 1024 : i32
      %ge3A_263 = vector.broadcast %ge3A_262 : i32 to vector<16xi32>
      %ge3A_264 = arith.cmpi sge, %add3A_261, %ge3A_263 : vector<16xi32>
      %sub3A_265 = arith.constant 1024 : i32
      %sub3A_266 = vector.broadcast %sub3A_265 : i32 to vector<16xi32>
      %sub3A_267 = arith.subi %add3A_261, %sub3A_266 : vector<16xi32>
      %select_n3A_268 = arith.select %ge3A_264, %sub3A_267, %add3A_261 : vector<16xi1>, vector<16xi32>
      %mul3A_269 = arith.constant 1024 : i32
      %mul3A_270 = vector.broadcast %mul3A_269 : i32 to vector<16xi32>
      %mul3A_271 = arith.muli %iota3A, %mul3A_270 : vector<16xi32>
      %add3A_272 = arith.addi %mul3A_271, %select_n3A_268 : vector<16xi32>
      %add3A_273 = vector.broadcast %mul3A_50 : i32 to vector<16xi32>
      %add3A_274 = arith.addi %add3A_272, %add3A_273 : vector<16xi32>
      %gather3A_275 = tpu.vector_load_idx %arg4[%add3A_274] : memref<32768xf32, #tpu.memory_space<vmem>>[vector<16xi32>], vector<16xf32>,
      %add3A_276 = arith.addf %add3A_204, %gather3A_275 : vector<16xf32>
      %broadcast_in_dim3A_277 = arith.constant 1020 : i32
      %broadcast_in_dim3A_278 = vector.broadcast %broadcast_in_dim3A_277 : i32 to vector<16xi32>
      %add3A_279 = arith.addi %broadcast_in_dim3A_278, %iota3A : vector<16xi32>
      %ge3A_280 = arith.constant 1024 : i32
      %ge3A_281 = vector.broadcast %ge3A_280 : i32 to vector<16xi32>
      %ge3A_282 = arith.cmpi sge, %add3A_279, %ge3A_281 : vector<16xi32>
      %sub3A_283 = arith.constant 1024 : i32
      %sub3A_284 = vector.broadcast %sub3A_283 : i32 to vector<16xi32>
      %sub3A_285 = arith.subi %add3A_279, %sub3A_284 : vector<16xi32>
      %select_n3A_286 = arith.select %ge3A_282, %sub3A_285, %add3A_279 : vector<16xi1>, vector<16xi32>
      %mul3A_287 = arith.constant 1024 : i32
      %mul3A_288 = vector.broadcast %mul3A_287 : i32 to vector<16xi32>
      %mul3A_289 = arith.muli %iota3A, %mul3A_288 : vector<16xi32>
      %add3A_290 = arith.addi %mul3A_289, %select_n3A_286 : vector<16xi32>
      %add3A_291 = vector.broadcast %mul3A_50 : i32 to vector<16xi32>
      %add3A_292 = arith.addi %add3A_290, %add3A_291 : vector<16xi32>
      %gather3A_293 = tpu.vector_load_idx %arg4[%add3A_292] : memref<32768xf32, #tpu.memory_space<vmem>>[vector<16xi32>], vector<16xf32>,
      %add3A_294 = arith.addf %add3A_222, %gather3A_293 : vector<16xf32>
      %broadcast_in_dim3A_295 = arith.constant 1021 : i32
      %broadcast_in_dim3A_296 = vector.broadcast %broadcast_in_dim3A_295 : i32 to vector<16xi32>
      %add3A_297 = arith.addi %broadcast_in_dim3A_296, %iota3A : vector<16xi32>
      %ge3A_298 = arith.constant 1024 : i32
      %ge3A_299 = vector.broadcast %ge3A_298 : i32 to vector<16xi32>
      %ge3A_300 = arith.cmpi sge, %add3A_297, %ge3A_299 : vector<16xi32>
      %sub3A_301 = arith.constant 1024 : i32
      %sub3A_302 = vector.broadcast %sub3A_301 : i32 to vector<16xi32>
      %sub3A_303 = arith.subi %add3A_297, %sub3A_302 : vector<16xi32>
      %select_n3A_304 = arith.select %ge3A_300, %sub3A_303, %add3A_297 : vector<16xi1>, vector<16xi32>
      %mul3A_305 = arith.constant 1024 : i32
      %mul3A_306 = vector.broadcast %mul3A_305 : i32 to vector<16xi32>
      %mul3A_307 = arith.muli %iota3A, %mul3A_306 : vector<16xi32>
      %add3A_308 = arith.addi %mul3A_307, %select_n3A_304 : vector<16xi32>
      %add3A_309 = vector.broadcast %mul3A_50 : i32 to vector<16xi32>
      %add3A_310 = arith.addi %add3A_308, %add3A_309 : vector<16xi32>
      %gather3A_311 = tpu.vector_load_idx %arg4[%add3A_310] : memref<32768xf32, #tpu.memory_space<vmem>>[vector<16xi32>], vector<16xf32>,
      %add3A_312 = arith.addf %add3A_240, %gather3A_311 : vector<16xf32>
      %broadcast_in_dim3A_313 = arith.constant 1022 : i32
      %broadcast_in_dim3A_314 = vector.broadcast %broadcast_in_dim3A_313 : i32 to vector<16xi32>
      %add3A_315 = arith.addi %broadcast_in_dim3A_314, %iota3A : vector<16xi32>
      %ge3A_316 = arith.constant 1024 : i32
      %ge3A_317 = vector.broadcast %ge3A_316 : i32 to vector<16xi32>
      %ge3A_318 = arith.cmpi sge, %add3A_315, %ge3A_317 : vector<16xi32>
      %sub3A_319 = arith.constant 1024 : i32
      %sub3A_320 = vector.broadcast %sub3A_319 : i32 to vector<16xi32>
      %sub3A_321 = arith.subi %add3A_315, %sub3A_320 : vector<16xi32>
      %select_n3A_322 = arith.select %ge3A_318, %sub3A_321, %add3A_315 : vector<16xi1>, vector<16xi32>
      %mul3A_323 = arith.constant 1024 : i32
      %mul3A_324 = vector.broadcast %mul3A_323 : i32 to vector<16xi32>
      %mul3A_325 = arith.muli %iota3A, %mul3A_324 : vector<16xi32>
      %add3A_326 = arith.addi %mul3A_325, %select_n3A_322 : vector<16xi32>
      %add3A_327 = vector.broadcast %mul3A_50 : i32 to vector<16xi32>
      %add3A_328 = arith.addi %add3A_326, %add3A_327 : vector<16xi32>
      %gather3A_329 = tpu.vector_load_idx %arg4[%add3A_328] : memref<32768xf32, #tpu.memory_space<vmem>>[vector<16xi32>], vector<16xf32>,
      %add3A_330 = arith.addf %add3A_258, %gather3A_329 : vector<16xf32>
      %broadcast_in_dim3A_331 = arith.constant 1023 : i32
      %broadcast_in_dim3A_332 = vector.broadcast %broadcast_in_dim3A_331 : i32 to vector<16xi32>
      %add3A_333 = arith.addi %broadcast_in_dim3A_332, %iota3A : vector<16xi32>
      %ge3A_334 = arith.constant 1024 : i32
      %ge3A_335 = vector.broadcast %ge3A_334 : i32 to vector<16xi32>
      %ge3A_336 = arith.cmpi sge, %add3A_333, %ge3A_335 : vector<16xi32>
      %sub3A_337 = arith.constant 1024 : i32
      %sub3A_338 = vector.broadcast %sub3A_337 : i32 to vector<16xi32>
      %sub3A_339 = arith.subi %add3A_333, %sub3A_338 : vector<16xi32>
      %select_n3A_340 = arith.select %ge3A_336, %sub3A_339, %add3A_333 : vector<16xi1>, vector<16xi32>
      %mul3A_341 = arith.constant 1024 : i32
      %mul3A_342 = vector.broadcast %mul3A_341 : i32 to vector<16xi32>
      %mul3A_343 = arith.muli %iota3A, %mul3A_342 : vector<16xi32>
      %add3A_344 = arith.addi %mul3A_343, %select_n3A_340 : vector<16xi32>
      %add3A_345 = vector.broadcast %mul3A_50 : i32 to vector<16xi32>
      %add3A_346 = arith.addi %add3A_344, %add3A_345 : vector<16xi32>
      %gather3A_347 = tpu.vector_load_idx %arg4[%add3A_346] : memref<32768xf32, #tpu.memory_space<vmem>>[vector<16xi32>], vector<16xf32>,
      %add3A_348 = arith.addf %add3A_276, %gather3A_347 : vector<16xf32>
      %add3A_349 = arith.addf %add3A_294, %add3A_312 : vector<16xf32>
      %add3A_350 = arith.addf %add3A_330, %add3A_348 : vector<16xf32>
      %add3A_351 = arith.addf %add3A_349, %add3A_350 : vector<16xf32>
      %mul3A_352 = arith.constant 16 : i32
      %mul3A_353 = arith.muli %scan3A_47, %mul3A_352 : i32
      %swap3A = arith.index_cast %mul3A_353 : i32 to index
      %swap3A_354 = tpu.vector_load %arg5[%swap3A] {strides = array<i32>} : memref<32xf32, #tpu.memory_space<vmem>>, vector<16xf32>,
      tpu.vector_store %arg5[%swap3A], %add3A_351 {strides = array<i32>} : memref<32xf32, #tpu.memory_space<vmem>>, vector<16xf32>,
      %scan3A_355 = arith.constant 0 : i32
      scf.yield %scan3A_355 : i32
    }
    %scan3A_44 = arith.constant 2 : i32
    %mul3A_45 = arith.constant 32 : i32
    %mul3A_46 = arith.muli %select_n3A_30, %mul3A_45 : i32
    "tpu.region"() ({
      %run_scoped3A = tpu.sem_alloc : memref<!tpu.dma_semaphore, #tpu.memory_space<semaphore_mem>>
      %dma_start3A_47 = tpu.memref_slice %arg3[%select_n3A, %mul3A_46] : memref<8x128xf32, #tpu.memory_space<hbm>> -> memref<1x32xf32, #tpu.memory_space<hbm>>
      %dma_start3A_48 = tpu.memref_squeeze %dma_start3A_47 : memref<1x32xf32, #tpu.memory_space<hbm>> -> memref<32xf32, #tpu.memory_space<hbm>>
      %dma_start3A_49 = tpu.memref_slice %arg3[%select_n3A, %mul3A_46] : memref<8x128xf32, #tpu.memory_space<hbm>> -> memref<1x32xf32, #tpu.memory_space<hbm>>
      %dma_start3A_50 = tpu.memref_squeeze %dma_start3A_49 : memref<1x32xf32, #tpu.memory_space<hbm>> -> memref<32xf32, #tpu.memory_space<hbm>>
      tpu.enqueue_dma source(%arg5 : memref<32xf32, #tpu.memory_space<vmem>>) target(%dma_start3A_50 : memref<32xf32, #tpu.memory_space<hbm>>) target_semaphore(%run_scoped3A : memref<!tpu.dma_semaphore, #tpu.memory_space<semaphore_mem>>)
      %dma_wait3A_51 = tpu.memref_slice %arg3[%select_n3A, %mul3A_46] : memref<8x128xf32, #tpu.memory_space<hbm>> -> memref<1x32xf32, #tpu.memory_space<hbm>>
      %dma_wait3A_52 = tpu.memref_squeeze %dma_wait3A_51 : memref<1x32xf32, #tpu.memory_space<hbm>> -> memref<32xf32, #tpu.memory_space<hbm>>
      %dma_wait3A_53 = tpu.memref_slice %arg3[%select_n3A, %mul3A_46] : memref<8x128xf32, #tpu.memory_space<hbm>> -> memref<1x32xf32, #tpu.memory_space<hbm>>
      %dma_wait3A_54 = tpu.memref_squeeze %dma_wait3A_53 : memref<1x32xf32, #tpu.memory_space<hbm>> -> memref<32xf32, #tpu.memory_space<hbm>>
      tpu.wait_dma2 semaphore(%run_scoped3A : memref<!tpu.dma_semaphore, #tpu.memory_space<semaphore_mem>>) src(%arg5 : memref<32xf32, #tpu.memory_space<vmem>>) dst(%dma_wait3A_54 : memref<32xf32, #tpu.memory_space<hbm>>)
      tpu.yield
    }) : () -> ()
    return
  }
}

module attributes {stable_mosaic.version = 14 : i64} {
  func.func @_fold_body(%arg0: i32, %arg1: memref<8x65536xf32, #tpu.memory_space<vmem>>, %arg2: memref<1x32xf32, #tpu.memory_space<vmem>>, %arg3: memref<1x32xf32, #tpu.memory_space<vmem>>, %arg4: memref<1x32xf32, #tpu.memory_space<vmem>>, %arg5: memref<32x64xf32, #tpu.memory_space<vmem>>, %arg6: memref<1x64xf32, #tpu.memory_space<vmem>>, %arg7: memref<1x64xf32, #tpu.memory_space<vmem>>, %arg8: memref<64x64xf32, #tpu.memory_space<vmem>>, %arg9: memref<1x64xf32, #tpu.memory_space<vmem>>, %arg10: memref<1x64xf32, #tpu.memory_space<vmem>>, %arg11: memref<64x128xf32, #tpu.memory_space<vmem>>, %arg12: memref<1x128xf32, #tpu.memory_space<vmem>>, %arg13: memref<1x128xf32, #tpu.memory_space<vmem>>, %arg14: memref<20x16384xf32, #tpu.memory_space<vmem>>, %arg15: memref<20x1xf32, #tpu.memory_space<vmem>>, %arg16: memref<1x20xf32, #tpu.memory_space<vmem>>, %arg17: memref<1x8x64xf32, #tpu.memory_space<vmem>>, %arg18: memref<20x128xf32, #tpu.memory_space<vmem>>, %arg19: memref<1x20xf32, #tpu.memory_space<vmem>>) attributes {dimension_semantics = [#tpu.dimension_semantics<arbitrary>], iteration_bounds = array<i64: 2>, scalar_prefetch = 0 : i64, scratch_operands = 0 : i64, tpu.core_type = #tpu.core_type<tc>, window_params = [{transform_indices = @transform_0, window_bounds = array<i64: 8, 65536>}, {pipeline_mode = #tpu.pipeline_mode<synchronous>, transform_indices = @transform_1, window_bounds = array<i64: 1, 32>}, {pipeline_mode = #tpu.pipeline_mode<synchronous>, transform_indices = @transform_2, window_bounds = array<i64: 1, 32>}, {pipeline_mode = #tpu.pipeline_mode<synchronous>, transform_indices = @transform_3, window_bounds = array<i64: 1, 32>}, {pipeline_mode = #tpu.pipeline_mode<synchronous>, transform_indices = @transform_4, window_bounds = array<i64: 32, 64>}, {pipeline_mode = #tpu.pipeline_mode<synchronous>, transform_indices = @transform_5, window_bounds = array<i64: 1, 64>}, {pipeline_mode = #tpu.pipeline_mode<synchronous>, transform_indices = @transform_6, window_bounds = array<i64: 1, 64>}, {pipeline_mode = #tpu.pipeline_mode<synchronous>, transform_indices = @transform_7, window_bounds = array<i64: 64, 64>}, {pipeline_mode = #tpu.pipeline_mode<synchronous>, transform_indices = @transform_8, window_bounds = array<i64: 1, 64>}, {pipeline_mode = #tpu.pipeline_mode<synchronous>, transform_indices = @transform_9, window_bounds = array<i64: 1, 64>}, {pipeline_mode = #tpu.pipeline_mode<synchronous>, transform_indices = @transform_10, window_bounds = array<i64: 64, 128>}, {pipeline_mode = #tpu.pipeline_mode<synchronous>, transform_indices = @transform_11, window_bounds = array<i64: 1, 128>}, {pipeline_mode = #tpu.pipeline_mode<synchronous>, transform_indices = @transform_12, window_bounds = array<i64: 1, 128>}, {pipeline_mode = #tpu.pipeline_mode<synchronous>, transform_indices = @transform_13, window_bounds = array<i64: 20, 16384>}, {pipeline_mode = #tpu.pipeline_mode<synchronous>, transform_indices = @transform_14, window_bounds = array<i64: 20, 1>}, {pipeline_mode = #tpu.pipeline_mode<synchronous>, transform_indices = @transform_15, window_bounds = array<i64: 1, 20>}, {transform_indices = @transform_16, window_bounds = array<i64: 1, 8, 64>}, {pipeline_mode = #tpu.pipeline_mode<synchronous>, transform_indices = @transform_17, window_bounds = array<i64: 20, 128>}, {pipeline_mode = #tpu.pipeline_mode<synchronous>, transform_indices = @transform_18, window_bounds = array<i64: 1, 20>}]} {
    %get3A = arith.constant 0 : index
    %get3A_0 = arith.constant 0 : index
    %get3A_1 = vector.load %arg1[%get3A, %get3A_0] : memref<8x65536xf32, #tpu.memory_space<vmem>>, vector<8x65536xf32>
    %reshape3A = vector.shape_cast %get3A_1 : vector<8x65536xf32> to vector<8x64x1024xf32>
    %reduce_sum3A = arith.constant dense<0.000000e+00> : vector<8x64xf32>
    %reduce_sum3A_2 = vector.multi_reduction <add>, %reshape3A, %reduce_sum3A [2] : vector<8x64x1024xf32> to vector<8x64xf32>
    %broadcast_in_dim3A = vector.shape_cast %reduce_sum3A_2 : vector<8x64xf32> to vector<1x8x64xf32>
    %swap3A = arith.constant 0 : index
    %swap3A_3 = arith.constant 0 : index
    %swap3A_4 = arith.constant 0 : index
    %swap3A_5 = vector.load %arg17[%swap3A, %swap3A_3, %swap3A_4] : memref<1x8x64xf32, #tpu.memory_space<vmem>>, vector<1x8x64xf32>
    tpu.vector_store %arg17[%swap3A, %swap3A_3, %swap3A_4], %broadcast_in_dim3A {strides = array<i32>} : memref<1x8x64xf32, #tpu.memory_space<vmem>>, vector<1x8x64xf32>,
    %eq3A = arith.constant 1 : i32
    %eq3A_6 = arith.cmpi eq, %arg0, %eq3A : i32
    %convert_element_type3A = arith.extui %eq3A_6 : i1 to i32
    %cond3A = arith.constant 0 : i32
    %cond3A_7 = arith.cmpi ne, %convert_element_type3A, %cond3A : i32
    scf.if %cond3A_7 {
      %get3A_8 = arith.constant 0 : index
      %get3A_9 = arith.constant 0 : index
      %get3A_10 = vector.load %arg2[%get3A_8, %get3A_9] : memref<1x32xf32, #tpu.memory_space<vmem>>, vector<1x32xf32>
      %get3A_11 = arith.constant 0 : index
      %get3A_12 = arith.constant 0 : index
      %get3A_13 = vector.load %arg3[%get3A_11, %get3A_12] : memref<1x32xf32, #tpu.memory_space<vmem>>, vector<1x32xf32>
      %mul3A = arith.mulf %get3A_10, %get3A_10 : vector<1x32xf32>
      %reduce_sum3A_14 = arith.constant dense<0.000000e+00> : vector<32xf32>
      %reduce_sum3A_15 = vector.multi_reduction <add>, %mul3A, %reduce_sum3A_14 [0] : vector<1x32xf32> to vector<32xf32>
      %broadcast_in_dim3A_16 = vector.shape_cast %reduce_sum3A_15 : vector<32xf32> to vector<1x32xf32>
      %add3A = arith.constant 9.99999996E-13 : f32
      %add3A_17 = vector.broadcast %add3A : f32 to vector<1x32xf32>
      %add3A_18 = arith.addf %broadcast_in_dim3A_16, %add3A_17 : vector<1x32xf32>
      %sqrt3A = math.sqrt %add3A_18 : vector<1x32xf32>
      %div3A = arith.divf %get3A_13, %sqrt3A : vector<1x32xf32>
      %mul3A_19 = arith.mulf %get3A_10, %div3A : vector<1x32xf32>
      %get3A_20 = arith.constant 0 : index
      %get3A_21 = arith.constant 0 : index
      %get3A_22 = vector.load %arg5[%get3A_20, %get3A_21] : memref<32x64xf32, #tpu.memory_space<vmem>>, vector<32x64xf32>
      %get3A_23 = arith.constant 0 : index
      %get3A_24 = arith.constant 0 : index
      %get3A_25 = vector.load %arg6[%get3A_23, %get3A_24] : memref<1x64xf32, #tpu.memory_space<vmem>>, vector<1x64xf32>
      %mul3A_26 = arith.mulf %get3A_22, %get3A_22 : vector<32x64xf32>
      %reduce_sum3A_27 = arith.constant dense<0.000000e+00> : vector<64xf32>
      %reduce_sum3A_28 = vector.multi_reduction <add>, %mul3A_26, %reduce_sum3A_27 [0] : vector<32x64xf32> to vector<64xf32>
      %broadcast_in_dim3A_29 = vector.shape_cast %reduce_sum3A_28 : vector<64xf32> to vector<1x64xf32>
      %add3A_30 = arith.constant 9.99999996E-13 : f32
      %add3A_31 = vector.broadcast %add3A_30 : f32 to vector<1x64xf32>
      %add3A_32 = arith.addf %broadcast_in_dim3A_29, %add3A_31 : vector<1x64xf32>
      %sqrt3A_33 = math.sqrt %add3A_32 : vector<1x64xf32>
      %div3A_34 = arith.divf %get3A_25, %sqrt3A_33 : vector<1x64xf32>
      %mul3A_35 = vector.broadcast %div3A_34 : vector<1x64xf32> to vector<32x64xf32>
      %mul3A_36 = arith.mulf %get3A_22, %mul3A_35 : vector<32x64xf32>
      %get3A_37 = arith.constant 0 : index
      %get3A_38 = arith.constant 0 : index
      %get3A_39 = vector.load %arg8[%get3A_37, %get3A_38] : memref<64x64xf32, #tpu.memory_space<vmem>>, vector<64x64xf32>
      %get3A_40 = arith.constant 0 : index
      %get3A_41 = arith.constant 0 : index
      %get3A_42 = vector.load %arg9[%get3A_40, %get3A_41] : memref<1x64xf32, #tpu.memory_space<vmem>>, vector<1x64xf32>
      %mul3A_43 = arith.mulf %get3A_39, %get3A_39 : vector<64x64xf32>
      %reduce_sum3A_44 = arith.constant dense<0.000000e+00> : vector<64xf32>
      %reduce_sum3A_45 = vector.multi_reduction <add>, %mul3A_43, %reduce_sum3A_44 [0] : vector<64x64xf32> to vector<64xf32>
      %broadcast_in_dim3A_46 = vector.shape_cast %reduce_sum3A_45 : vector<64xf32> to vector<1x64xf32>
      %add3A_47 = arith.constant 9.99999996E-13 : f32
      %add3A_48 = vector.broadcast %add3A_47 : f32 to vector<1x64xf32>
      %add3A_49 = arith.addf %broadcast_in_dim3A_46, %add3A_48 : vector<1x64xf32>
      %sqrt3A_50 = math.sqrt %add3A_49 : vector<1x64xf32>
      %div3A_51 = arith.divf %get3A_42, %sqrt3A_50 : vector<1x64xf32>
      %mul3A_52 = vector.broadcast %div3A_51 : vector<1x64xf32> to vector<64x64xf32>
      %mul3A_53 = arith.mulf %get3A_39, %mul3A_52 : vector<64x64xf32>
      %get3A_54 = arith.constant 0 : index
      %get3A_55 = arith.constant 0 : index
      %get3A_56 = vector.load %arg11[%get3A_54, %get3A_55] : memref<64x128xf32, #tpu.memory_space<vmem>>, vector<64x128xf32>
      %get3A_57 = arith.constant 0 : index
      %get3A_58 = arith.constant 0 : index
      %get3A_59 = vector.load %arg12[%get3A_57, %get3A_58] : memref<1x128xf32, #tpu.memory_space<vmem>>, vector<1x128xf32>
      %mul3A_60 = arith.mulf %get3A_56, %get3A_56 : vector<64x128xf32>
      %reduce_sum3A_61 = arith.constant dense<0.000000e+00> : vector<128xf32>
      %reduce_sum3A_62 = vector.multi_reduction <add>, %mul3A_60, %reduce_sum3A_61 [0] : vector<64x128xf32> to vector<128xf32>
      %broadcast_in_dim3A_63 = vector.shape_cast %reduce_sum3A_62 : vector<128xf32> to vector<1x128xf32>
      %add3A_64 = arith.constant 9.99999996E-13 : f32
      %add3A_65 = vector.broadcast %add3A_64 : f32 to vector<1x128xf32>
      %add3A_66 = arith.addf %broadcast_in_dim3A_63, %add3A_65 : vector<1x128xf32>
      %sqrt3A_67 = math.sqrt %add3A_66 : vector<1x128xf32>
      %div3A_68 = arith.divf %get3A_59, %sqrt3A_67 : vector<1x128xf32>
      %mul3A_69 = vector.broadcast %div3A_68 : vector<1x128xf32> to vector<64x128xf32>
      %mul3A_70 = arith.mulf %get3A_56, %mul3A_69 : vector<64x128xf32>
      %dot_general3A = arith.constant dense<0.000000e+00> : vector<1x64xf32>
      %dot_general3A_71 = tpu.matmul %mul3A_19, %mul3A_36, %dot_general3A {dimension_numbers = #tpu.dot_dimension_numbers<[1], [0], [0], [1], [0, 0, 1, 1], [], []>, precision = #tpu.contract_precision<fp32>, transpose_lhs_hint = false} : vector<1x32xf32>, vector<32x64xf32>, vector<1x64xf32> -> vector<1x64xf32>
      %get3A_72 = arith.constant 0 : index
      %get3A_73 = arith.constant 0 : index
      %get3A_74 = vector.load %arg4[%get3A_72, %get3A_73] : memref<1x32xf32, #tpu.memory_space<vmem>>, vector<1x32xf32>
      %dot_general3A_75 = arith.constant dense<0.000000e+00> : vector<1x64xf32>
      %dot_general3A_76 = tpu.matmul %get3A_74, %mul3A_36, %dot_general3A_75 {dimension_numbers = #tpu.dot_dimension_numbers<[1], [0], [0], [1], [0, 0, 1, 1], [], []>, precision = #tpu.contract_precision<fp32>, transpose_lhs_hint = false} : vector<1x32xf32>, vector<32x64xf32>, vector<1x64xf32> -> vector<1x64xf32>
      %mul3A_77 = arith.constant 4.000000e+00 : f32
      %mul3A_78 = vector.broadcast %mul3A_77 : f32 to vector<1x64xf32>
      %mul3A_79 = arith.mulf %mul3A_78, %dot_general3A_76 : vector<1x64xf32>
      %get3A_80 = arith.constant 0 : index
      %get3A_81 = arith.constant 0 : index
      %get3A_82 = vector.load %arg7[%get3A_80, %get3A_81] : memref<1x64xf32, #tpu.memory_space<vmem>>, vector<1x64xf32>
      %add3A_83 = arith.addf %mul3A_79, %get3A_82 : vector<1x64xf32>
      %dot_general3A_84 = arith.constant dense<0.000000e+00> : vector<1x64xf32>
      %dot_general3A_85 = tpu.matmul %dot_general3A_71, %mul3A_53, %dot_general3A_84 {dimension_numbers = #tpu.dot_dimension_numbers<[1], [0], [0], [1], [0, 0, 1, 1], [], []>, precision = #tpu.contract_precision<fp32>, transpose_lhs_hint = false} : vector<1x64xf32>, vector<64x64xf32>, vector<1x64xf32> -> vector<1x64xf32>
      %add3A_86 = arith.addf %dot_general3A_71, %dot_general3A_85 : vector<1x64xf32>
      %dot_general3A_87 = arith.constant dense<0.000000e+00> : vector<1x64xf32>
      %dot_general3A_88 = tpu.matmul %add3A_83, %mul3A_53, %dot_general3A_87 {dimension_numbers = #tpu.dot_dimension_numbers<[1], [0], [0], [1], [0, 0, 1, 1], [], []>, precision = #tpu.contract_precision<fp32>, transpose_lhs_hint = false} : vector<1x64xf32>, vector<64x64xf32>, vector<1x64xf32> -> vector<1x64xf32>
      %add3A_89 = arith.addf %add3A_83, %dot_general3A_88 : vector<1x64xf32>
      %get3A_90 = arith.constant 0 : index
      %get3A_91 = arith.constant 0 : index
      %get3A_92 = vector.load %arg10[%get3A_90, %get3A_91] : memref<1x64xf32, #tpu.memory_space<vmem>>, vector<1x64xf32>
      %add3A_93 = arith.addf %add3A_89, %get3A_92 : vector<1x64xf32>
      %dot_general3A_94 = arith.constant dense<0.000000e+00> : vector<1x128xf32>
      %dot_general3A_95 = tpu.matmul %add3A_86, %mul3A_70, %dot_general3A_94 {dimension_numbers = #tpu.dot_dimension_numbers<[1], [0], [0], [1], [0, 0, 1, 1], [], []>, precision = #tpu.contract_precision<fp32>, transpose_lhs_hint = false} : vector<1x64xf32>, vector<64x128xf32>, vector<1x128xf32> -> vector<1x128xf32>
      %dot_general3A_96 = arith.constant dense<0.000000e+00> : vector<1x128xf32>
      %dot_general3A_97 = tpu.matmul %add3A_93, %mul3A_70, %dot_general3A_96 {dimension_numbers = #tpu.dot_dimension_numbers<[1], [0], [0], [1], [0, 0, 1, 1], [], []>, precision = #tpu.contract_precision<fp32>, transpose_lhs_hint = false} : vector<1x64xf32>, vector<64x128xf32>, vector<1x128xf32> -> vector<1x128xf32>
      %mul3A_98 = arith.constant 1.280000e+02 : f32
      %mul3A_99 = vector.broadcast %mul3A_98 : f32 to vector<1x128xf32>
      %mul3A_100 = arith.mulf %mul3A_99, %dot_general3A_97 : vector<1x128xf32>
      %get3A_101 = arith.constant 0 : index
      %get3A_102 = arith.constant 0 : index
      %get3A_103 = vector.load %arg13[%get3A_101, %get3A_102] : memref<1x128xf32, #tpu.memory_space<vmem>>, vector<1x128xf32>
      %add3A_104 = arith.addf %mul3A_100, %get3A_103 : vector<1x128xf32>
      %get3A_105 = arith.constant 0 : index
      %get3A_106 = arith.constant 0 : index
      %get3A_107 = vector.load %arg14[%get3A_105, %get3A_106] : memref<20x16384xf32, #tpu.memory_space<vmem>>, vector<20x16384xf32>
      %get3A_108 = arith.constant 0 : index
      %get3A_109 = arith.constant 0 : index
      %get3A_110 = vector.load %arg15[%get3A_108, %get3A_109] : memref<20x1xf32, #tpu.memory_space<vmem>>, vector<20x1xf32>
      %mul3A_111 = arith.mulf %get3A_107, %get3A_107 : vector<20x16384xf32>
      %reduce_sum3A_112 = arith.constant dense<0.000000e+00> : vector<20xf32>
      %reduce_sum3A_113 = vector.multi_reduction <add>, %mul3A_111, %reduce_sum3A_112 [1] : vector<20x16384xf32> to vector<20xf32>
      %broadcast_in_dim3A_114 = vector.shape_cast %reduce_sum3A_113 : vector<20xf32> to vector<20x1xf32>
      %add3A_115 = arith.constant 9.99999996E-13 : f32
      %add3A_116 = vector.broadcast %add3A_115 : f32 to vector<20x1xf32>
      %add3A_117 = arith.addf %broadcast_in_dim3A_114, %add3A_116 : vector<20x1xf32>
      %sqrt3A_118 = math.sqrt %add3A_117 : vector<20x1xf32>
      %div3A_119 = arith.divf %get3A_110, %sqrt3A_118 : vector<20x1xf32>
      %mul3A_120 = vector.broadcast %div3A_119 : vector<20x1xf32> to vector<20x16384xf32>
      %mul3A_121 = arith.mulf %get3A_107, %mul3A_120 : vector<20x16384xf32>
      %reshape3A_122 = vector.shape_cast %mul3A_121 : vector<20x16384xf32> to vector<20x128x128xf32>
      %squeeze3A = vector.shape_cast %dot_general3A_95 : vector<1x128xf32> to vector<128xf32>
      %broadcast_in_dim3A_123 = vector.shape_cast %squeeze3A : vector<128xf32> to vector<1x1x128xf32>
      %mul3A_124 = vector.broadcast %broadcast_in_dim3A_123 : vector<1x1x128xf32> to vector<20x128x128xf32>
      %mul3A_125 = arith.mulf %reshape3A_122, %mul3A_124 : vector<20x128x128xf32>
      %reduce_sum3A_126 = arith.constant dense<0.000000e+00> : vector<20x128xf32>
      %reduce_sum3A_127 = vector.multi_reduction <add>, %mul3A_125, %reduce_sum3A_126 [2] : vector<20x128x128xf32> to vector<20x128xf32>
      %squeeze3A_128 = vector.shape_cast %add3A_104 : vector<1x128xf32> to vector<128xf32>
      %broadcast_in_dim3A_129 = vector.shape_cast %squeeze3A_128 : vector<128xf32> to vector<1x1x128xf32>
      %mul3A_130 = vector.broadcast %broadcast_in_dim3A_129 : vector<1x1x128xf32> to vector<20x128x128xf32>
      %mul3A_131 = arith.mulf %reshape3A_122, %mul3A_130 : vector<20x128x128xf32>
      %reduce_sum3A_132 = arith.constant dense<0.000000e+00> : vector<20x128xf32>
      %reduce_sum3A_133 = vector.multi_reduction <add>, %mul3A_131, %reduce_sum3A_132 [2] : vector<20x128x128xf32> to vector<20x128xf32>
      %swap3A_134 = arith.constant 0 : index
      %swap3A_135 = arith.constant 0 : index
      %swap3A_136 = vector.load %arg18[%swap3A_134, %swap3A_135] : memref<20x128xf32, #tpu.memory_space<vmem>>, vector<20x128xf32>
      tpu.vector_store %arg18[%swap3A_134, %swap3A_135], %reduce_sum3A_127 {strides = array<i32>} : memref<20x128xf32, #tpu.memory_space<vmem>>, vector<20x128xf32>,
      %broadcast_in_dim3A_137 = arith.constant 1.000000e+00 : f32
      %broadcast_in_dim3A_138 = vector.broadcast %broadcast_in_dim3A_137 : f32 to vector<1x128xf32>
      %dot_general3A_139 = arith.constant dense<0.000000e+00> : vector<1x20xf32>
      %dot_general3A_140 = tpu.matmul %broadcast_in_dim3A_138, %reduce_sum3A_133, %dot_general3A_139 {dimension_numbers = #tpu.dot_dimension_numbers<[1], [1], [0], [0], [0, 0, 1, 0], [], []>, precision = #tpu.contract_precision<fp32>, transpose_lhs_hint = false} : vector<1x128xf32>, vector<20x128xf32>, vector<1x20xf32> -> vector<1x20xf32>
      %get3A_141 = arith.constant 0 : index
      %get3A_142 = arith.constant 0 : index
      %get3A_143 = vector.load %arg16[%get3A_141, %get3A_142] : memref<1x20xf32, #tpu.memory_space<vmem>>, vector<1x20xf32>
      %add3A_144 = arith.addf %dot_general3A_140, %get3A_143 : vector<1x20xf32>
      %swap3A_145 = arith.constant 0 : index
      %swap3A_146 = arith.constant 0 : index
      %swap3A_147 = vector.load %arg19[%swap3A_145, %swap3A_146] : memref<1x20xf32, #tpu.memory_space<vmem>>, vector<1x20xf32>
      tpu.vector_store %arg19[%swap3A_145, %swap3A_146], %add3A_144 {strides = array<i32>} : memref<1x20xf32, #tpu.memory_space<vmem>>, vector<1x20xf32>,
    } else {
    }
    return
  }
  func.func @transform_0(%arg0: i32) -> (i32, i32) {
    %c1_i32 = arith.constant 1 : i32
    %c0_i32 = arith.constant 0 : i32
    return %c1_i32, %arg0 : i32, i32
  }
  func.func @transform_1(%arg0: i32) -> (i32, i32) {
    %c0_i32 = arith.constant 0 : i32
    %c0_i32_0 = arith.constant 0 : i32
    %c0_i32_1 = arith.constant 0 : i32
    return %c0_i32, %c0_i32_0 : i32, i32
  }
  func.func @transform_2(%arg0: i32) -> (i32, i32) {
    %c0_i32 = arith.constant 0 : i32
    %c0_i32_0 = arith.constant 0 : i32
    %c0_i32_1 = arith.constant 0 : i32
    return %c0_i32, %c0_i32_0 : i32, i32
  }
  func.func @transform_3(%arg0: i32) -> (i32, i32) {
    %c0_i32 = arith.constant 0 : i32
    %c0_i32_0 = arith.constant 0 : i32
    %c0_i32_1 = arith.constant 0 : i32
    return %c0_i32, %c0_i32_0 : i32, i32
  }
  func.func @transform_4(%arg0: i32) -> (i32, i32) {
    %c0_i32 = arith.constant 0 : i32
    %c0_i32_0 = arith.constant 0 : i32
    %c0_i32_1 = arith.constant 0 : i32
    return %c0_i32, %c0_i32_0 : i32, i32
  }
  func.func @transform_5(%arg0: i32) -> (i32, i32) {
    %c0_i32 = arith.constant 0 : i32
    %c0_i32_0 = arith.constant 0 : i32
    %c0_i32_1 = arith.constant 0 : i32
    return %c0_i32, %c0_i32_0 : i32, i32
  }
  func.func @transform_6(%arg0: i32) -> (i32, i32) {
    %c0_i32 = arith.constant 0 : i32
    %c0_i32_0 = arith.constant 0 : i32
    %c0_i32_1 = arith.constant 0 : i32
    return %c0_i32, %c0_i32_0 : i32, i32
  }
  func.func @transform_7(%arg0: i32) -> (i32, i32) {
    %c0_i32 = arith.constant 0 : i32
    %c0_i32_0 = arith.constant 0 : i32
    %c0_i32_1 = arith.constant 0 : i32
    return %c0_i32, %c0_i32_0 : i32, i32
  }
  func.func @transform_8(%arg0: i32) -> (i32, i32) {
    %c0_i32 = arith.constant 0 : i32
    %c0_i32_0 = arith.constant 0 : i32
    %c0_i32_1 = arith.constant 0 : i32
    return %c0_i32, %c0_i32_0 : i32, i32
  }
  func.func @transform_9(%arg0: i32) -> (i32, i32) {
    %c0_i32 = arith.constant 0 : i32
    %c0_i32_0 = arith.constant 0 : i32
    %c0_i32_1 = arith.constant 0 : i32
    return %c0_i32, %c0_i32_0 : i32, i32
  }
  func.func @transform_10(%arg0: i32) -> (i32, i32) {
    %c0_i32 = arith.constant 0 : i32
    %c0_i32_0 = arith.constant 0 : i32
    %c0_i32_1 = arith.constant 0 : i32
    return %c0_i32, %c0_i32_0 : i32, i32
  }
  func.func @transform_11(%arg0: i32) -> (i32, i32) {
    %c0_i32 = arith.constant 0 : i32
    %c0_i32_0 = arith.constant 0 : i32
    %c0_i32_1 = arith.constant 0 : i32
    return %c0_i32, %c0_i32_0 : i32, i32
  }
  func.func @transform_12(%arg0: i32) -> (i32, i32) {
    %c0_i32 = arith.constant 0 : i32
    %c0_i32_0 = arith.constant 0 : i32
    %c0_i32_1 = arith.constant 0 : i32
    return %c0_i32, %c0_i32_0 : i32, i32
  }
  func.func @transform_13(%arg0: i32) -> (i32, i32) {
    %c0_i32 = arith.constant 0 : i32
    %c0_i32_0 = arith.constant 0 : i32
    %c0_i32_1 = arith.constant 0 : i32
    return %c0_i32, %c0_i32_0 : i32, i32
  }
  func.func @transform_14(%arg0: i32) -> (i32, i32) {
    %c0_i32 = arith.constant 0 : i32
    %c0_i32_0 = arith.constant 0 : i32
    %c0_i32_1 = arith.constant 0 : i32
    return %c0_i32, %c0_i32_0 : i32, i32
  }
  func.func @transform_15(%arg0: i32) -> (i32, i32) {
    %c0_i32 = arith.constant 0 : i32
    %c0_i32_0 = arith.constant 0 : i32
    %c0_i32_1 = arith.constant 0 : i32
    return %c0_i32, %c0_i32_0 : i32, i32
  }
  func.func @transform_16(%arg0: i32) -> (i32, i32, i32) {
    %c0_i32 = arith.constant 0 : i32
    %c0_i32_0 = arith.constant 0 : i32
    %c0_i32_1 = arith.constant 0 : i32
    return %arg0, %c0_i32, %c0_i32_0 : i32, i32, i32
  }
  func.func @transform_17(%arg0: i32) -> (i32, i32) {
    %c0_i32 = arith.constant 0 : i32
    %c0_i32_0 = arith.constant 0 : i32
    %c0_i32_1 = arith.constant 0 : i32
    return %c0_i32, %c0_i32_0 : i32, i32
  }
  func.func @transform_18(%arg0: i32) -> (i32, i32) {
    %c0_i32 = arith.constant 0 : i32
    %c0_i32_0 = arith.constant 0 : i32
    %c0_i32_1 = arith.constant 0 : i32
    return %c0_i32, %c0_i32_0 : i32, i32
  }
}

module attributes {stable_mosaic.version = 14 : i64} {
  func.func @_final_body(%arg0: memref<8x128xf32, #tpu.memory_space<vmem>>, %arg1: memref<2x8x64xf32, #tpu.memory_space<vmem>>, %arg2: memref<20x128xf32, #tpu.memory_space<vmem>>, %arg3: memref<1x20xf32, #tpu.memory_space<vmem>>, %arg4: memref<16x20xf32, #tpu.memory_space<vmem>>) attributes {dimension_semantics = [], scalar_prefetch = 0 : i64, scratch_operands = 0 : i64, tpu.core_type = #tpu.core_type<tc>} {
    %get3A = arith.constant 0 : index
    %get3A_0 = arith.constant 0 : index
    %get3A_1 = arith.constant 0 : index
    %get3A_2 = vector.load %arg1[%get3A, %get3A_0, %get3A_1] : memref<2x8x64xf32, #tpu.memory_space<vmem>>, vector<1x8x64xf32>
    %get3A_3 = vector.shape_cast %get3A_2 : vector<1x8x64xf32> to vector<8x64xf32>
    %get3A_4 = arith.constant 1 : index
    %get3A_5 = arith.constant 0 : index
    %get3A_6 = arith.constant 0 : index
    %get3A_7 = vector.load %arg1[%get3A_4, %get3A_5, %get3A_6] : memref<2x8x64xf32, #tpu.memory_space<vmem>>, vector<1x8x64xf32>
    %get3A_8 = vector.shape_cast %get3A_7 : vector<1x8x64xf32> to vector<8x64xf32>
    %concatenate3A = tpu.concatenate %get3A_3, %get3A_8 in 1 : vector<8x64xf32>, vector<8x64xf32> -> vector<8x128xf32>
    %get3A_9 = arith.constant 0 : index
    %get3A_10 = arith.constant 0 : index
    %get3A_11 = vector.load %arg0[%get3A_9, %get3A_10] : memref<8x128xf32, #tpu.memory_space<vmem>>, vector<8x128xf32>
    %concatenate3A_12 = tpu.concatenate %get3A_11, %concatenate3A in 0 : vector<8x128xf32>, vector<8x128xf32> -> vector<16x128xf32>
    %get3A_13 = arith.constant 0 : index
    %get3A_14 = arith.constant 0 : index
    %get3A_15 = vector.load %arg2[%get3A_13, %get3A_14] : memref<20x128xf32, #tpu.memory_space<vmem>>, vector<20x128xf32>
    %dot_general3A = arith.constant dense<0.000000e+00> : vector<16x20xf32>
    %dot_general3A_16 = tpu.matmul %concatenate3A_12, %get3A_15, %dot_general3A {dimension_numbers = #tpu.dot_dimension_numbers<[1], [1], [0], [0], [0, 0, 1, 0], [], []>, precision = #tpu.contract_precision<fp32>, transpose_lhs_hint = false} : vector<16x128xf32>, vector<20x128xf32>, vector<16x20xf32> -> vector<16x20xf32>
    %get3A_17 = arith.constant 0 : index
    %get3A_18 = arith.constant 0 : index
    %get3A_19 = vector.load %arg3[%get3A_17, %get3A_18] : memref<1x20xf32, #tpu.memory_space<vmem>>, vector<1x20xf32>
    %add3A = vector.broadcast %get3A_19 : vector<1x20xf32> to vector<16x20xf32>
    %add3A_20 = arith.addf %dot_general3A_16, %add3A : vector<16x20xf32>
    %swap3A = arith.constant 0 : index
    %swap3A_21 = arith.constant 0 : index
    %swap3A_22 = vector.load %arg4[%swap3A, %swap3A_21] : memref<16x20xf32, #tpu.memory_space<vmem>>, vector<16x20xf32>
    tpu.vector_store %arg4[%swap3A, %swap3A_21], %add3A_20 {strides = array<i32>} : memref<16x20xf32, #tpu.memory_space<vmem>>, vector<16x20xf32>,
    return
  }
}

</mosaic_0001>

<sc_bundles>
// kernel: kernel.5.cloned.1.call-start
scs
__scs_entry_jumppad:
0x0: {  	(pc) =	sbr.rel $0x88, $3  }
0x1: {  	(tag) =	ssettag $0x0;
	lr =	simm.s32 $0x1  }
0x2: {  	[smem:$0x3F91] =	sst lr;
	_ =	strace $0xD0000000  }
0x3: {  	_ = 	snop  }
0x4: {  	_ = 	snop  }
0x5: {  	_ = 	snop  }
0x6: {  	_ = 	snop  }
0x7: {  	_ = 	snop  }
__scs_overlays_trampoline_lowered:
0x8: {  	[smem:$0x3FA0] =	sst s0  }
0x9: {  	[smem:$0x3FA1] =	sst s1  }
0xa: {  	[smem:$0x3FA2] =	sst s2  }
0xb: {  	[smem:$0x3FA3] =	sst s3  }
0xc: {  	[smem:$0x3FA4] =	sst s4  }
0xd: {  	[smem:$0x3FA5] =	sst s5  }
0xe: {  	[smem:$0x3FA6] =	sst s6  }
0xf: {  	[smem:$0x3FA7] =	sst s7  }
0x10: {  	[smem:$0x3FA8] =	sst s8  }
0x11: {  	[smem:$0x3FA9] =	sst s9;
	s0 =	simm.s32 @!p0 $0x0  }
0x12: {  	s1 =	sld [smem:$0x3F8F];
	s0 =	simm.s32 @p0 $0x1  }
0x13: {  	[smem:$0x3FAA] =	sst s0;
	s0 =	simm.s32 @!p1 $0x0  }
0x14: {  	s2 =	sld [smem:$0x3F8E];
	s0 =	simm.s32 @p1 $0x1  }
0x15: {  	[smem:$0x3FAB] =	sst s0;
	s0 =	simm.s32 @!p2 $0x0  }
0x16: {  	s3 =	sld [smem:$0x3FDB];
	s0 =	simm.s32 @p2 $0x1  }
0x17: {  	s4 =	simm.s32 $0x1BF5;
	[smem:$0x3FAD] =	sst s0  }
0x18: {  	s0 =	sld [smem:$0x3F90];
	_ =	swait.ge [sflag:s4], $0x0  }
0x19: {  	s7 =	sld [smem:$0x3F91]  }
0x1a: {  	s8 =	sadd.s32 $0xFFFFE003, lr  }
0x1b: {  	s9 =	sadd.s32 $0xFFFFFEF7, lr;
	s5 =	simm.s32 $0xFFFFFFFF;
	p2 =	slt.u32 s8, $0xFFFFF086  }
0x1c: {  	p1 =	slt.u32 s9, $0xF7A;
	s5 =	simm.s32 @!p2 $0x0  }
0x1d: {  	s5 =	simm.s32 @p1 $0x1;
	p0 =	seq.s32 s7, s2  }
0x1e: {  	s7 =	smul.u32 @!p0 $0xF7A, s2;
	p2 =	seq.s32 @!p0 s5, $0x0  }
0x1f: {  	s9 =	smul.u32 $0xF7A, s1;
	s8 =	simm.s32 @!p0 $0x1BF5;
	p2 =	por !p2, p0  }
0x20: {  	[sflag:s8] =	ssyncset.s32 @!p0 $0xFFFFF086;
	s6 =	sadd.s32 @!p0 s3, s7;
	s7 =	simm.s32 @!p0 $0x108  }
0x21: {  	s3 =	sadd.s32 s3, s9;
	s6 =	sadd.s32 @!p0 $0x88, s6;
	s7 =	simm.s32 @p2 $0x1082  }
0x22: {  	[simem:s7], [sflag:s8] =	dma.local @!p0 [hbm:s6], $0xF7A  }
0x23: {  	s9 =	sor.u32 $0xD0000000, s2;
	s6 =	simm.s32 $0x108;
	_ =	swait.ge @!p0 [sflag:s8], $0x0  }
0x24: {  	s3 =	sadd.s32 $0x88, s3;
	s6 =	simm.s32 @!p1 $0x1082;
	[sflag:s4] =	ssyncset.s32 $0xFFFFF086  }
0x25: {  	[simem:s6], [sflag:s4] =	dma.local [hbm:s3], $0xF7A  }
0x26: {  	[smem:$0x3F91] =	sst s1;
	(tag) =	ssettag s2;
	_ =	strace s9  }
0x27: {  	s1 =	sld [smem:$0x3FA1]  }
0x28: {  	s2 =	sld [smem:$0x3FA2]  }
0x29: {  	s4 =	sld [smem:$0x3FA4]  }
0x2a: {  	p0 =	seq.s32 s5, $0x0;
	s5 =	sld [smem:$0x3FA5]  }
0x2b: {  	s6 =	sld [smem:$0x3FA6]  }
0x2c: {  	s7 =	sld [smem:$0x3FA7]  }
0x2d: {  	s3 =	simm.s32 $0x108;
	s8 =	sld [smem:$0x3FA8]  }
0x2e: {  	s3 =	simm.s32 @!p0 $0x1082;
	s9 =	sld [smem:$0x3FA9]  }
0x2f: {  	lr =	sadd.s32 s0, s3;
	s0 =	sld [smem:$0x3FA0]  }
0x30: {  	s3 =	sld [smem:$0x3FA3]  }
0x31: {  	[smem:$0x3FAC] =	sst s10  }
0x32: {  	s10 =	sld [smem:$0x3FAA];
	_ =	sdelay $0x3  }
0x33: {  	p0 =	seq.s32 s10, $0x1;
	s10 =	sld [smem:$0x3FAC];
	_ =	sdelay $0x3  }
0x34: {  	[smem:$0x3FAC] =	sst s10  }
0x35: {  	s10 =	sld [smem:$0x3FAB];
	_ =	sdelay $0x3  }
0x36: {  	p1 =	seq.s32 s10, $0x1;
	s10 =	sld [smem:$0x3FAC];
	_ =	sdelay $0x3  }
0x37: {  	[smem:$0x3FAC] =	sst s10  }
0x38: {  	s10 =	sld [smem:$0x3FAD]  }
0x39: {  	_ = 	snop;
	(pc) =	sbr.ind lr, $3  }
0x3a: {  	_ = 	snop  }
0x3b: {  	_ = 	snop  }
0x3c: {  	p2 =	seq.s32 s10, $0x1;
	s10 =	sld [smem:$0x3FAC]  }
0x3d: {  	_ =	shalt  }
0x3e: {  	_ =	shalt  }
0x3f: {  	_ =	shalt  }
0x40: {  	_ =	shalt  }
0x41: {  	_ =	shalt  }
0x42: {  	_ =	shalt  }
0x43: {  	_ =	shalt  }
0x44: {  	_ =	shalt  }
0x45: {  	_ =	shalt  }
0x46: {  	_ =	shalt  }
0x47: {  	_ =	shalt  }
0x48: {  	_ =	shalt  }
0x49: {  	_ =	shalt  }
0x4a: {  	_ =	shalt  }
0x4b: {  	_ =	shalt  }
0x4c: {  	_ =	shalt  }
0x4d: {  	_ =	shalt  }
0x4e: {  	_ =	shalt  }
0x4f: {  	_ =	shalt  }
0x50: {  	_ =	shalt  }
0x51: {  	_ =	shalt  }
0x52: {  	_ =	shalt  }
0x53: {  	_ =	shalt  }
0x54: {  	_ =	shalt  }
0x55: {  	_ =	shalt  }
0x56: {  	_ =	shalt  }
0x57: {  	_ =	shalt  }
0x58: {  	_ =	shalt  }
0x59: {  	_ =	shalt  }
0x5a: {  	_ =	shalt  }
0x5b: {  	_ =	shalt  }
0x5c: {  	_ =	shalt  }
0x5d: {  	_ =	shalt  }
0x5e: {  	_ =	shalt  }
0x5f: {  	_ =	shalt  }
0x60: {  	_ =	shalt  }
0x61: {  	_ =	shalt  }
0x62: {  	_ =	shalt  }
0x63: {  	_ =	shalt  }
0x64: {  	_ =	shalt  }
0x65: {  	_ =	shalt  }
0x66: {  	_ =	shalt  }
0x67: {  	_ =	shalt  }
0x68: {  	_ =	shalt  }
0x69: {  	_ =	shalt  }
0x6a: {  	_ =	shalt  }
0x6b: {  	_ =	shalt  }
0x6c: {  	_ =	shalt  }
0x6d: {  	_ =	shalt  }
0x6e: {  	_ =	shalt  }
0x6f: {  	_ =	shalt  }
0x70: {  	_ =	shalt  }
0x71: {  	_ =	shalt  }
0x72: {  	_ =	shalt  }
0x73: {  	_ =	shalt  }
0x74: {  	_ =	shalt  }
0x75: {  	_ =	shalt  }
0x76: {  	_ =	shalt  }
0x77: {  	_ =	shalt  }
0x78: {  	_ =	shalt  }
0x79: {  	_ =	shalt  }
0x7a: {  	_ =	shalt  }
0x7b: {  	_ =	shalt  }
0x7c: {  	_ =	shalt  }
0x7d: {  	_ =	shalt  }
0x7e: {  	_ =	shalt  }
0x7f: {  	_ =	shalt  }
0x80: {  	_ =	shalt  }
0x81: {  	_ =	shalt  }
0x82: {  	_ =	shalt  }
0x83: {  	_ =	shalt  }
0x84: {  	_ =	shalt  }
0x85: {  	_ =	shalt  }
0x86: {  	_ =	shalt  }
0x87: {  	_ =	shalt  }
.Lfunc_end0:
.L_simem_size_0:
called_computation_lowered:
.L_overlay_start_0:
0x88: {  	s2 =	sld [smem:$0x3FD9]  }
0x89: {  	s3 =	sld [smem:$0x3FFE];
	_ =	sdelay $0x1  }
0x8a: {  	s1 =	srdreg.scid  }
0x8b: {  	s0 =	sand.u32 $0x1, s1  }
0x8c: {  	s18 =	sshll.u32 s0, $0xA;
	s2 =	sadd.s32 s3, s2  }
0x8d: {  	s2 =	sadd.s32 s2, s18  }
0x8e: {  	[smem:$0x3FB8] =	sst s2  }
0x8f: {  	_ = 	snop  }
0x90: {  	s2 =	sld [smem:$0x3FC9]  }
0x91: {  	s19 =	sld [smem:$0x3FD0];
	(tm) =	ssettm $0x1  }
0x92: {  	s4 =	sld [smem:$0x3FFB];
	_ =	sdelay $0x3  }
0x93: {  	_ =	strace s4  }
0x94: {  	s4 =	sld [smem:$0x3FFC];
	_ =	sdelay $0x3  }
0x95: {  	_ =	strace s4  }
0x96: {  	s4 =	sld [smem:$0x3FFD];
	_ =	sdelay $0x3  }
0x97: {  	_ =	strace s4  }
0x98: {  	_ =	strace $0x8FFFFFFF  }
0x99: {  	s20 =	sld [smem:$0x3FDB];
	_ =	sdelay $0x1  }
0x9a: {  	s5 =	simm.s32 $_scs_section_size  }
0x9b: {  	s6 =	simm.s32 $_size__tile_overlayer_lowered;
	s7 =	simm.s32 $_tile_overlayer_lowered  }
0x9c: {  	s23 =	simm.s32 $0x1BFF;
	s22 =	sshll.u32 s7, $0x1;
	s4 =	sadd.s32 s5, s20  }
0x9d: {  	s8 =	simm.s32 $0x0;
	s21 =	sshll.u32 s6, $0x1;
	s6 =	sadd.s32 s22, s4  }
0x9e: {  	[timem:s8], [sflag:s23] =	dma.local [hbm:s6], s21  }
0x9f: {  	_ =	swait.ge [sflag:s23], s21  }
0xa0: {  	s5 =	ssub.s32 $0x0, s21;
	[sflag:s23] =	ssyncset.done $0x0  }
0xa1: {  	[sflag:s23] =	ssyncadd.s32 s5;
	_ =	sdelay $0x1  }
0xa2: {  	s24 =	simm.s32 $0x1B8B  }
0xa3: {  	_ =	swait.ge [sflag:s24], $0x1  }
0xa4: {  	[sflag:s24] =	ssyncset.done $0x0  }
0xa5: {  	s25 =	simm.s32 $0x1B8E;
	[sflag:s24] =	ssyncadd.s32 $0xFFFFFFFF  }
0xa6: {  	s26 =	simm.s32 $execute0_lowered;
	[smem:$0x3FD2] =	sst s25  }
0xa7: {  	s5 =	sshll.u32 s26, $0x1;
	_ =	strace $0x80000046;
	[dreg:$0x1] =	wrdreg $0xFFFFFFFF  }
0xa8: {  	s28 =	simm.s32 $_size_execute0_lowered;
	s4 =	sadd.s32 s4, s5;
	[dreg:$0x0] =	wrdreg $0x0  }
0xa9: {  	s5 =	sshll.u32 s28, $0x1;
	[dreg:$0x2] =	wrdreg s4  }
0xaa: {  	[dreg:$0x3] =	wrdreg s5  }
0xab: {  	[dreg:$0x4] =	wrdreg $0xC0  }
0xac: {  	_ =	task [dreg:s8], $0x5FFFF  }
0xad: {  	[dreg:$0x1] =	wrdreg $0xFFFFFFFF  }
0xae: {  	[dreg:$0x0] =	wrdreg $0x60  }
0xaf: {  	[dreg:$0x2] =	wrdreg s2  }
0xb0: {  	[dreg:$0x3] =	wrdreg s19  }
0xb1: {  	[dreg:$0x4] =	wrdreg $0x9  }
0xb2: {  	_ =	task.clear_ibuf [dreg:s8], $0x5FFFF;
	_ =	strace $0x90000046  }
0xb3: {  	s29 =	simm.s32 $0x9;
	_ =	strace $0x80000048  }
0xb4: {  	_ =	swait.ge [sflag:s29], $0x1  }
0xb5: {  	[sflag:s29] =	ssyncadd.s32 $0xFFFFFFFF  }
0xb6: {  	_ =	strace $0x90000048  }
0xb7: {  	_ =	sfence  }
0xb8: {  	s30 =	sld [smem:$0x0];
	_ =	sdelay $0x2  }
0xb9: {  	s31 =	sshll.u32 s1, $0xD;
	s1 =	sshrl.u32 s1, $0x2  }
0xba: {  	s3 =	sand.u32 $0x4000, s31;
	s1 =	sadd.s32 s1, s30  }
0xbb: {  	s0 =	sor.u32 s3, s0;
	s1 =	sshll.u32 s1, $0x11  }
0xbc: {  	s0 =	sor.u32 s1, s0  }
0xbd: {  	s0 =	sadd.s32 $0x8F2B, s0  }
0xbe: {  	[sflag:s0] =	ssyncadd.remote.s32 $0x1  }
0xbf: {  	_ =	sfence.sel $0xFFFF  }
0xc0: {  	[dreg:$0x0] =	wrdreg $0xFFFFFFFF;
	(pc) =	sbr.abs _section_cstart, $3  }
0xc1: {  	[dreg:$0x1] =	wrdreg $0xFFFFFFFF  }
0xc2: {  	_ =	task.clear_ibuf [dreg:s8], $0x2FFFF;
	_ =	strace $0x9FFFFFFF  }
0xc3: {  	(tm) =	ssettm $0x7FFFFFFF  }
tec
execute0_lowered:
.L_overlay_start_1:
0x0: {  	(tag) =	ssettag $0x1  }
0x1: {  	v0 =	vimm.s32 $0x3C00;
	vm14 =	vcmask $0x300;
	vm13 =	vcmask $0x704  }
0x2: {  	vm12 =	vcmask $0xB08;
	vm11 =	vcmask $0xF0C;
	v1 =	vlaneseq.u32  }
0x3: {  	vm10 =	vcmask $0x1310;
	vm9 =	vcmask $0x1714;
	vm7 =	vcmask $0x1B18  }
0x4: {  	vm0 =	vcmask $0x1F1C;
	v3 =	vimm.s32 $0x3C01;
	v4 =	vimm.s32 $0x3C02  }
0x5: {  	vm1 =	vcmask $0x2320;
	vm2 =	vcmask $0x2724;
	vm3 =	vcmask $0x2B28  }
0x6: {  	vm4 =	vcmask $0x2F2C;
	vm5 =	vcmask $0x3330;
	vm6 =	vcmask $0x3734  }
0x7: {  	vm8 =	vcmask $0x3B38;
	v5 =	vimm.s32 $0x3C03;
	v6 =	vimm.s32 $0x3C04  }
0x8: {  	v7 =	vimm.s32 $0x3C05;
	v8 =	vimm.s32 $0x3C06;
	v9 =	vimm.s32 $0x3C07  }
0x9: {  	v10 =	vimm.s32 $0x3C08;
	v11 =	vimm.s32 $0x3C09;
	v12 =	vimm.s32 $0x3C0A  }
0xa: {  	v13 =	vimm.s32 $0x3C0B;
	v14 =	vimm.s32 $0x3C0C;
	v15 =	vimm.s32 $0x3C0D  }
0xb: {  	v16 =	vimm.s32 $0x3C0E;
	v0 =	vsel vm14, $0x3F1, v0;
	v3 =	vsel vm14, $0x3F2, v3  }
0xc: {  	v4 =	vsel vm14, $0x3F3, v4;
	v5 =	vsel vm14, $0x3F4, v5;
	v6 =	vsel vm14, $0x3F5, v6  }
0xd: {  	v7 =	vsel vm14, $0x3F6, v7;
	v8 =	vsel vm14, $0x3F7, v8;
	v9 =	vsel vm14, $0x3F8, v9  }
0xe: {  	v10 =	vsel vm14, $0x3F9, v10;
	v11 =	vsel vm14, $0x3FA, v11;
	v12 =	vsel vm14, $0x3FB, v12  }
0xf: {  	v13 =	vsel vm14, $0x3FC, v13;
	v14 =	vsel vm14, $0x3FD, v14;
	v15 =	vsel vm14, $0x3FE, v15  }
0x10: {  	v16 =	vsel vm14, $0x3FF, v16;
	v0 =	vsel vm13, $0x7F2, v0;
	v3 =	vsel vm13, $0x7F3, v3  }
0x11: {  	v4 =	vsel vm13, $0x7F4, v4;
	v5 =	vsel vm13, $0x7F5, v5;
	v6 =	vsel vm13, $0x7F6, v6  }
0x12: {  	v7 =	vsel vm13, $0x7F7, v7;
	v8 =	vsel vm13, $0x7F8, v8;
	v9 =	vsel vm13, $0x7F9, v9  }
0x13: {  	v10 =	vsel vm13, $0x7FA, v10;
	v11 =	vsel vm13, $0x7FB, v11;
	v12 =	vsel vm13, $0x7FC, v12  }
0x14: {  	v13 =	vsel vm13, $0x7FD, v13;
	v14 =	vsel vm13, $0x7FE, v14;
	v15 =	vsel vm13, $0x7FF, v15  }
0x15: {  	v16 =	vsel vm13, $0x400, v16;
	v0 =	vsel vm12, $0xBF3, v0;
	v3 =	vsel vm12, $0xBF4, v3  }
0x16: {  	v4 =	vsel vm12, $0xBF5, v4;
	v5 =	vsel vm12, $0xBF6, v5;
	v6 =	vsel vm12, $0xBF7, v6  }
0x17: {  	v7 =	vsel vm12, $0xBF8, v7;
	v8 =	vsel vm12, $0xBF9, v8;
	v9 =	vsel vm12, $0xBFA, v9  }
0x18: {  	v10 =	vsel vm12, $0xBFB, v10;
	v11 =	vsel vm12, $0xBFC, v11;
	v12 =	vsel vm12, $0xBFD, v12  }
0x19: {  	v13 =	vsel vm12, $0xBFE, v13;
	v14 =	vsel vm12, $0xBFF, v14;
	v15 =	vsel vm12, $0x800, v15  }
0x1a: {  	v16 =	vsel vm12, $0x801, v16;
	v2 =	vsel vm11, $0xFF4, v0;
	v0 =	vmul.u32 $0x401, v1  }
0x1b: {  	v3 =	vsel vm11, $0xFF5, v3;
	v4 =	vsel vm11, $0xFF6, v4;
	v5 =	vsel vm11, $0xFF7, v5  }
0x1c: {  	v6 =	vsel vm11, $0xFF8, v6;
	v7 =	vsel vm11, $0xFF9, v7;
	v8 =	vsel vm11, $0xFFA, v8  }
0x1d: {  	v9 =	vsel vm11, $0xFFB, v9;
	v10 =	vsel vm11, $0xFFC, v10;
	v11 =	vsel vm11, $0xFFD, v11  }
0x1e: {  	v12 =	vsel vm11, $0xFFE, v12;
	v13 =	vsel vm11, $0xFFF, v13;
	v14 =	vsel vm11, $0xC00, v14  }
0x1f: {  	v15 =	vsel vm11, $0xC01, v15;
	v16 =	vsel vm11, $0xC02, v16;
	v1 =	vsel vm10, $0x13F5, v2  }
0x20: {  	v3 =	vsel vm10, $0x13F6, v3;
	v4 =	vsel vm10, $0x13F7, v4;
	v5 =	vsel vm10, $0x13F8, v5  }
0x21: {  	v6 =	vsel vm10, $0x13F9, v6;
	v7 =	vsel vm10, $0x13FA, v7;
	v8 =	vsel vm10, $0x13FB, v8  }
0x22: {  	v9 =	vsel vm10, $0x13FC, v9;
	v10 =	vsel vm10, $0x13FD, v10;
	v11 =	vsel vm10, $0x13FE, v11  }
0x23: {  	v12 =	vsel vm10, $0x13FF, v12;
	v13 =	vsel vm10, $0x1000, v13;
	v14 =	vsel vm10, $0x1001, v14  }
0x24: {  	v15 =	vsel vm10, $0x1002, v15;
	v16 =	vsel vm10, $0x1003, v16;
	v2 =	vsel vm9, $0x17F6, v1  }
0x25: {  	v1 =	vadd.s32 $0x3F0, v0;
	v3 =	vsel vm9, $0x17F7, v3;
	v4 =	vsel vm9, $0x17F8, v4  }
0x26: {  	v5 =	vsel vm9, $0x17F9, v5;
	v6 =	vsel vm9, $0x17FA, v6;
	v7 =	vsel vm9, $0x17FB, v7  }
0x27: {  	v8 =	vsel vm9, $0x17FC, v8;
	v9 =	vsel vm9, $0x17FD, v9;
	v10 =	vsel vm9, $0x17FE, v10  }
0x28: {  	v11 =	vsel vm9, $0x17FF, v11;
	v12 =	vsel vm9, $0x1400, v12;
	v13 =	vsel vm9, $0x1401, v13  }
0x29: {  	v14 =	vsel vm9, $0x1402, v14;
	v15 =	vsel vm9, $0x1403, v15;
	v16 =	vsel vm9, $0x1404, v16  }
0x2a: {  	v2 =	vsel vm7, $0x1BF7, v2;
	v3 =	vsel vm7, $0x1BF8, v3;
	v4 =	vsel vm7, $0x1BF9, v4  }
0x2b: {  	v5 =	vsel vm7, $0x1BFA, v5;
	v6 =	vsel vm7, $0x1BFB, v6;
	v7 =	vsel vm7, $0x1BFC, v7  }
0x2c: {  	v8 =	vsel vm7, $0x1BFD, v8;
	v9 =	vsel vm7, $0x1BFE, v9;
	v10 =	vsel vm7, $0x1BFF, v10  }
0x2d: {  	v11 =	vsel vm7, $0x1800, v11;
	v12 =	vsel vm7, $0x1801, v12;
	v13 =	vsel vm7, $0x1802, v13  }
0x2e: {  	v14 =	vsel vm7, $0x1803, v14;
	v15 =	vsel vm7, $0x1804, v15;
	v16 =	vsel vm7, $0x1805, v16  }
0x2f: {  	v2 =	vsel vm0, $0x1FF8, v2;
	v3 =	vsel vm0, $0x1FF9, v3;
	v4 =	vsel vm0, $0x1FFA, v4  }
0x30: {  	v5 =	vsel vm0, $0x1FFB, v5;
	v6 =	vsel vm0, $0x1FFC, v6;
	v7 =	vsel vm0, $0x1FFD, v7  }
0x31: {  	v8 =	vsel vm0, $0x1FFE, v8;
	v9 =	vsel vm0, $0x1FFF, v9;
	v10 =	vsel vm0, $0x1C00, v10  }
0x32: {  	v11 =	vsel vm0, $0x1C01, v11;
	v12 =	vsel vm0, $0x1C02, v12;
	v13 =	vsel vm0, $0x1C03, v13  }
0x33: {  	v14 =	vsel vm0, $0x1C04, v14;
	v15 =	vsel vm0, $0x1C05, v15;
	v16 =	vsel vm0, $0x1C06, v16  }
0x34: {  	v2 =	vsel vm1, $0x23F9, v2;
	v3 =	vsel vm1, $0x23FA, v3;
	v4 =	vsel vm1, $0x23FB, v4  }
0x35: {  	v5 =	vsel vm1, $0x23FC, v5;
	v6 =	vsel vm1, $0x23FD, v6;
	v7 =	vsel vm1, $0x23FE, v7  }
0x36: {  	v8 =	vsel vm1, $0x23FF, v8;
	v9 =	vsel vm1, $0x2000, v9;
	v10 =	vsel vm1, $0x2001, v10  }
0x37: {  	v11 =	vsel vm1, $0x2002, v11;
	v12 =	vsel vm1, $0x2003, v12;
	v13 =	vsel vm1, $0x2004, v13  }
0x38: {  	v14 =	vsel vm1, $0x2005, v14;
	v15 =	vsel vm1, $0x2006, v15;
	v16 =	vsel vm1, $0x2007, v16  }
0x39: {  	v2 =	vsel vm2, $0x27FA, v2;
	v3 =	vsel vm2, $0x27FB, v3;
	v4 =	vsel vm2, $0x27FC, v4  }
0x3a: {  	v5 =	vsel vm2, $0x27FD, v5;
	v6 =	vsel vm2, $0x27FE, v6;
	v7 =	vsel vm2, $0x27FF, v7  }
0x3b: {  	v8 =	vsel vm2, $0x2400, v8;
	v9 =	vsel vm2, $0x2401, v9;
	v10 =	vsel vm2, $0x2402, v10  }
0x3c: {  	v11 =	vsel vm2, $0x2403, v11;
	v12 =	vsel vm2, $0x2404, v12;
	v13 =	vsel vm2, $0x2405, v13  }
0x3d: {  	v14 =	vsel vm2, $0x2406, v14;
	v15 =	vsel vm2, $0x2407, v15;
	v16 =	vsel vm2, $0x2408, v16  }
0x3e: {  	v2 =	vsel vm3, $0x2BFB, v2;
	v3 =	vsel vm3, $0x2BFC, v3;
	v4 =	vsel vm3, $0x2BFD, v4  }
0x3f: {  	v5 =	vsel vm3, $0x2BFE, v5;
	v6 =	vsel vm3, $0x2BFF, v6;
	v7 =	vsel vm3, $0x2800, v7  }
0x40: {  	v8 =	vsel vm3, $0x2801, v8;
	v9 =	vsel vm3, $0x2802, v9;
	v10 =	vsel vm3, $0x2803, v10  }
0x41: {  	v11 =	vsel vm3, $0x2804, v11;
	v12 =	vsel vm3, $0x2805, v12;
	v13 =	vsel vm3, $0x2806, v13  }
0x42: {  	v14 =	vsel vm3, $0x2807, v14;
	v15 =	vsel vm3, $0x2808, v15;
	v16 =	vsel vm3, $0x2809, v16  }
0x43: {  	v2 =	vsel vm4, $0x2FFC, v2;
	v3 =	vsel vm4, $0x2FFD, v3;
	v4 =	vsel vm4, $0x2FFE, v4  }
0x44: {  	v5 =	vsel vm4, $0x2FFF, v5;
	v6 =	vsel vm4, $0x2C00, v6;
	v7 =	vsel vm4, $0x2C01, v7  }
0x45: {  	v8 =	vsel vm4, $0x2C02, v8;
	v9 =	vsel vm4, $0x2C03, v9;
	v10 =	vsel vm4, $0x2C04, v10  }
0x46: {  	v11 =	vsel vm4, $0x2C05, v11;
	v12 =	vsel vm4, $0x2C06, v12;
	v13 =	vsel vm4, $0x2C07, v13  }
0x47: {  	v14 =	vsel vm4, $0x2C08, v14;
	v15 =	vsel vm4, $0x2C09, v15;
	v16 =	vsel vm4, $0x2C0A, v16  }
0x48: {  	v2 =	vsel vm5, $0x33FD, v2;
	v3 =	vsel vm5, $0x33FE, v3;
	v4 =	vsel vm5, $0x33FF, v4  }
0x49: {  	v5 =	vsel vm5, $0x3000, v5;
	v6 =	vsel vm5, $0x3001, v6;
	v7 =	vsel vm5, $0x3002, v7  }
0x4a: {  	v8 =	vsel vm5, $0x3003, v8;
	v9 =	vsel vm5, $0x3004, v9;
	v10 =	vsel vm5, $0x3005, v10  }
0x4b: {  	s3 =	rddreg [dreg:$0x0];
	v11 =	vsel vm5, $0x3006, v11;
	v12 =	vsel vm5, $0x3007, v12;
	v13 =	vsel vm5, $0x3008, v13  }
0x4c: {  	s4 =	rddreg [dreg:$0x1];
	v14 =	vsel vm5, $0x3009, v14;
	v15 =	vsel vm5, $0x300A, v15;
	v16 =	vsel vm5, $0x300B, v16  }
0x4d: {  	s0 =	rddreg [dreg:$0x2];
	s2 =	simm.s32 $0x0;
	s1 =	stileid.u32;
	v2 =	vsel vm6, $0x37FE, v2;
	v3 =	vsel vm6, $0x37FF, v3;
	v4 =	vsel vm6, $0x3400, v4  }
0x4e: {  	s5 =	srdreg.scid;
	s10 =	simm.s32 $0x2;
	s11 =	simm.s32 $0x0;
	v5 =	vsel vm6, $0x3401, v5;
	v6 =	vsel vm6, $0x3402, v6;
	v7 =	vsel vm6, $0x3403, v7  }
0x4f: {  	[smem:$0x7FF] =	sst s2;
	s6 =	sshll.u32 s1, $0x1;
	s5 =	sand.u32 $0x1, s5;
	v8 =	vsel vm6, $0x3404, v8;
	v9 =	vsel vm6, $0x3405, v9;
	v10 =	vsel vm6, $0x3406, v10  }
0x50: {  	s29 =	sshll.u32 s1, $0x6;
	_ =	strace $0x80000047;
	s6 =	sand.u32 $0x2, s6;
	v11 =	vsel vm6, $0x3407, v11;
	v12 =	vsel vm6, $0x3408, v12;
	v13 =	vsel vm6, $0x3409, v13  }
0x51: {  	s7 =	ssub.s32 $0x2, s5;
	s5 =	sor.u32 s5, s6;
	s6 =	sand.u32 $0x380, s29;
	v14 =	vsel vm6, $0x340A, v14;
	v15 =	vsel vm6, $0x340B, v15;
	v16 =	vsel vm6, $0x340C, v16  }
0x52: {  	s9 =	sshrl.u32 s7, $0x1;
	s8 =	sshll.u32 s5, $0x12;
	s5 =	sshll.u32 s5, $0x5;
	v2 =	vsel vm8, $0x3BFF, v2;
	v3 =	vsel vm8, $0x3800, v3;
	v4 =	vsel vm8, $0x3801, v4  }
0x53: {  	s30 =	ssub.s32 s7, s9;
	s7 =	simm.s32 $0x400;
	s9 =	simm.s32 $0x8000;
	v5 =	vsel vm8, $0x3802, v5;
	v6 =	vsel vm8, $0x3803, v6;
	v7 =	vsel vm8, $0x3804, v7  }
0x54: {  	s8 =	sor.u32 s6, s8;
	s5 =	sor.u32 s6, s5;
	s6 =	simm.s32 $0x80;
	v8 =	vsel vm8, $0x3805, v8;
	v9 =	vsel vm8, $0x3806, v9;
	v10 =	vsel vm8, $0x3807, v10  }
0x55: {  	s31 =	sshrl.u32 s8, $0x3;
	s5 =	sshrl.u32 s5, $0x3;
	s8 =	simm.s32 $0x1;
	v11 =	vsel vm8, $0x3808, v11;
	v12 =	vsel vm8, $0x3809, v12;
	v13 =	vsel vm8, $0x380A, v13  }
0x56: {  	s3 =	sadd.s32 s3, s31;
	s4 =	sadd.s32 s4, s5;
	s5 =	smax.u32 s30, $0x1;
	v14 =	vsel vm8, $0x380B, v14;
	v15 =	vsel vm8, $0x380C, v15;
	v16 =	vsel vm8, $0x380D, v16  }
.LBB2_1:
0x57: {  	[tilespmem:s2], [sflag:$0x1] =	stream.strided.gather [hbm4b:s3+s6], $0x8000, s7, s6, $0x38;
	[tilespmem:$0x8080] =	vst v63  }
0x58: {  	_ =	swait.ge [sflag:s8], $0x8000  }
0x59: {  	[sflag:s8] =	ssyncset.done $0x0  }
0x5a: {  	p1 =	por $0x1, $0x1;
	s12 =	simm.s32 $0x0;
	[sflag:s8] =	ssyncadd.s32 $0xFFFF8000  }
.LBB2_2:
0x5b: {  	s13 =	sshll.u32 s12, $0xE  }
0x5c: {  	v17 =	vor.u32 s13, v0  }
0x5d: {  	v18 =	vadd.s32 $0xC, v17  }
0x5e: {  	v19 =	vadd.s32 $0xD, v17  }
0x5f: {  	v20 =	vadd.s32 $0x8, v17  }
0x60: {  	v21 =	vadd.s32 $0x9, v17  }
0x61: {  	v23 =	vadd.s32 $0x4, v17;
	v22 =	vld.idx.msk [tilespmem:v17+s2+$0x0], $0xffff  }
0x62: {  	v24 =	vadd.s32 $0x5, v17;
	v26 =	vld.idx.msk [tilespmem:v18+s2+$0x0], $0xffff  }
0x63: {  	v25 =	vadd.s32 $0x6, v17;
	v27 =	vld.idx.msk [tilespmem:v19+s2+$0x0], $0xffff  }
0x64: {  	v18 =	vadd.s32 $0x1, v17;
	v28 =	vld.idx.msk [tilespmem:v20+s2+$0x0], $0xffff  }
0x65: {  	v19 =	vadd.s32 $0x2, v17;
	v21 =	vld.idx.msk [tilespmem:v21+s2+$0x0], $0xffff  }
0x66: {  	v20 =	vadd.s32 $0x3, v17;
	v23 =	vld.idx.msk [tilespmem:v23+s2+$0x0], $0xffff  }
0x67: {  	v30 =	vadd.s32 $0xA, v17;
	v29 =	vld.idx.msk [tilespmem:v24+s2+$0x0], $0xffff  }
0x68: {  	v24 =	vadd.s32 $0x7, v17;
	v34 =	vld.idx.msk [tilespmem:v25+s2+$0x0], $0xffff  }
0x69: {  	v32 =	vadd.s32 $0xB, v17;
	v18 =	vld.idx.msk [tilespmem:v18+s2+$0x0], $0xffff  }
0x6a: {  	v33 =	vadd.s32 $0xE, v17;
	v31 =	vld.idx.msk [tilespmem:v19+s2+$0x0], $0xffff  }
0x6b: {  	v25 =	vadd.s32 $0xF, v17;
	v20 =	vld.idx.msk [tilespmem:v20+s2+$0x0], $0xffff  }
0x6c: {  	v37 =	vld.idx.msk [tilespmem:v30+s2+$0x0], $0xffff;
	v19 =	vadd.s32 $0x10, v17  }
0x6d: {  	v30 =	vimm.f32 $0.0e+00;
	v35 =	vld.idx.msk [tilespmem:v24+s2+$0x0], $0xffff;
	v36 =	vadd.s32 $0xC, v19  }
0x6e: {  	v39 =	vld.idx.msk [tilespmem:v32+s2+$0x0], $0xffff;
	v22 =	vadd.f32 v22, v30;
	v38 =	vadd.s32 $0xD, v19  }
0x6f: {  	v17 =	vmov s13;
	v24 =	vld.idx.msk [tilespmem:v33+s2+$0x0], $0xffff;
	v40 =	vadd.s32 $0x8, v19;
	v18 =	vadd.f32 v18, v30  }
0x70: {  	v25 =	vld.idx.msk [tilespmem:v25+s2+$0x0], $0xffff;
	v41 =	vadd.s32 $0x9, v19;
	v59 =	vadd.f32 v31, v30;
	v60 =	vadd.f32 v20, v30  }
0x71: {  	v42 =	vadd.f32 v23, v22;
	v20 =	vld.idx.msk [tilespmem:v19+s2+$0x0], $0xffff;
	v30 =	vadd.s32 $0x4, v19;
	v18 =	vadd.f32 v29, v18  }
0x72: {  	v31 =	vadd.s32 $0x5, v19;
	v22 =	vld.idx.msk [tilespmem:v36+s2+$0x0], $0xffff;
	v29 =	vadd.f32 v34, v59;
	v61 =	vadd.f32 v35, v60  }
0x73: {  	v32 =	vadd.s32 $0x1, v19;
	v62 =	vadd.f32 v28, v42;
	v23 =	vld.idx.msk [tilespmem:v38+s2+$0x0], $0xffff;
	v63 =	vadd.f32 v21, v18  }
0x74: {  	v33 =	vadd.s32 $0x2, v19;
	v18 =	vld.idx.msk [tilespmem:v40+s2+$0x0], $0xffff;
	v28 =	vadd.f32 v37, v29;
	v29 =	vadd.f32 v39, v61  }
0x75: {  	p0 =	por p1, p1;
	s13 =	simm.s32 $0x3D;
	v26 =	vadd.f32 v26, v62;
	v34 =	vadd.s32 $0x3, v19;
	v21 =	vld.idx.msk [tilespmem:v41+s2+$0x0], $0xffff;
	v27 =	vadd.f32 v27, v63  }
.LBB2_3:
0x76: {  	p1 =	sne.s32 s13, $0x1;
	v35 =	vld.idx.msk [tilespmem:v30+s2+$0x0], $0xffff;
	v30 =	vadd.s32 $0x6, v19;
	v28 =	vadd.f32 v24, v28;
	v25 =	vadd.f32 v25, v29  }
0x77: {  	v24 =	vadd.s32 $0x7, v19;
	v29 =	vld.idx.msk [tilespmem:v31+s2+$0x0], $0xffff  }
0x78: {  	v36 =	vmov v22;
	v31 =	vld.idx.msk [tilespmem:v32+s2+$0x0], $0xffff;
	v32 =	vadd.s32 $0xA, v19  }
0x79: {  	v37 =	vmov v23;
	v22 =	vld.idx.msk [tilespmem:v33+s2+$0x0], $0xffff;
	v33 =	vadd.s32 $0xB, v19  }
0x7a: {  	v23 =	vld.idx.msk [tilespmem:v34+s2+$0x0], $0xffff;
	v34 =	vadd.s32 $0xE, v19  }
0x7b: {  	v38 =	vld.idx.msk [tilespmem:v30+s2+$0x0], $0xffff;
	v30 =	vadd.s32 $0xF, v19  }
0x7c: {  	v19 =	vadd.s32 $0x10, v19;
	v39 =	vld.idx.msk [tilespmem:v24+s2+$0x0], $0xffff  }
0x7d: {  	v40 =	vadd.s32 $0xC, v19;
	v41 =	vld.idx.msk [tilespmem:v32+s2+$0x0], $0xffff  }
0x7e: {  	v42 =	vadd.s32 $0xD, v19;
	v43 =	vld.idx.msk [tilespmem:v33+s2+$0x0], $0xffff  }
0x7f: {  	v26 =	vadd.f32 v20, v26;
	v44 =	vadd.s32 $0x8, v19;
	v27 =	vadd.f32 v31, v27;
	v24 =	vld.idx.msk [tilespmem:v34+s2+$0x0], $0xffff  }
0x80: {  	v45 =	vadd.s32 $0x9, v19;
	v28 =	vadd.f32 v22, v28;
	v23 =	vadd.f32 v23, v25;
	v25 =	vld.idx.msk [tilespmem:v30+s2+$0x0], $0xffff  }
.Ltmp0:
0x81: {  	v26 =	vadd.f32 v35, v26;
	v27 =	vadd.f32 v29, v27;
	v30 =	vadd.s32 $0x4, v19;
	v20 =	vld.idx.msk [tilespmem:v19+s2+$0x0], $0xffff;
	(pc) =	sbr.rel @p1 .LBB2_3-.Ltmp0, $4  }
0x82: {  	v31 =	vadd.s32 $0x5, v19;
	v28 =	vadd.f32 v38, v28;
	v29 =	vadd.f32 v39, v23;
	v22 =	vld.idx.msk [tilespmem:v40+s2+$0x0], $0xffff  }
0x83: {  	v32 =	vadd.s32 $0x1, v19;
	v26 =	vadd.f32 v18, v26;
	v27 =	vadd.f32 v21, v27;
	v23 =	vld.idx.msk [tilespmem:v42+s2+$0x0], $0xffff  }
0x84: {  	v33 =	vadd.s32 $0x2, v19;
	v28 =	vadd.f32 v41, v28;
	v29 =	vadd.f32 v43, v29;
	v18 =	vld.idx.msk [tilespmem:v44+s2+$0x0], $0xffff  }
0x85: {  	s13 =	sadd.s32 $0xFFFFFFFF, s13;
	v34 =	vadd.s32 $0x3, v19;
	v26 =	vadd.f32 v36, v26;
	v27 =	vadd.f32 v37, v27;
	v21 =	vld.idx.msk [tilespmem:v45+s2+$0x0], $0xffff  }
0x86: {  	_ =	sdelay $0x3  }
0x87: {  	v30 =	vld.idx.msk [tilespmem:v30+s2+$0x0], $0xffff;
	v35 =	vadd.s32 $0x6, v19  }
0x88: {  	v31 =	vld.idx.msk [tilespmem:v31+s2+$0x0], $0xffff;
	v36 =	vadd.s32 $0x7, v19  }
0x89: {  	v32 =	vld.idx.msk [tilespmem:v32+s2+$0x0], $0xffff;
	v37 =	vadd.s32 $0xA, v19  }
0x8a: {  	v33 =	vld.idx.msk [tilespmem:v33+s2+$0x0], $0xffff;
	v38 =	vadd.s32 $0xB, v19  }
0x8b: {  	v34 =	vld.idx.msk [tilespmem:v34+s2+$0x0], $0xffff;
	v39 =	vadd.s32 $0xE, v19  }
0x8c: {  	v19 =	vadd.s32 $0xF, v19;
	v35 =	vld.idx.msk [tilespmem:v35+s2+$0x0], $0xffff  }
0x8d: {  	v40 =	vor.u32 v1, v17;
	v36 =	vld.idx.msk [tilespmem:v36+s2+$0x0], $0xffff  }
0x8e: {  	v41 =	vor.u32 v2, v17;
	v37 =	vld.idx.msk [tilespmem:v37+s2+$0x0], $0xffff  }
0x8f: {  	v42 =	vor.u32 v3, v17;
	v38 =	vld.idx.msk [tilespmem:v38+s2+$0x0], $0xffff  }
0x90: {  	v43 =	vor.u32 v4, v17;
	v39 =	vld.idx.msk [tilespmem:v39+s2+$0x0], $0xffff  }
0x91: {  	v44 =	vor.u32 v5, v17;
	v19 =	vld.idx.msk [tilespmem:v19+s2+$0x0], $0xffff  }
0x92: {  	v45 =	vor.u32 v6, v17;
	v40 =	vld.idx.msk [tilespmem:v40+s2+$0x0], $0xffff  }
0x93: {  	v46 =	vor.u32 v7, v17;
	v41 =	vld.idx.msk [tilespmem:v41+s2+$0x0], $0xffff  }
0x94: {  	v47 =	vor.u32 v8, v17;
	v42 =	vld.idx.msk [tilespmem:v42+s2+$0x0], $0xffff  }
0x95: {  	v48 =	vor.u32 v9, v17;
	v43 =	vld.idx.msk [tilespmem:v43+s2+$0x0], $0xffff  }
0x96: {  	v24 =	vadd.f32 v24, v28;
	v25 =	vadd.f32 v25, v29;
	v62 =	vor.u32 v10, v17;
	v28 =	vld.idx.msk [tilespmem:v44+s2+$0x0], $0xffff  }
0x97: {  	v50 =	vor.u32 v12, v17;
	v20 =	vadd.f32 v20, v26;
	v63 =	vadd.f32 v32, v27;
	v44 =	vld.idx.msk [tilespmem:v45+s2+$0x0], $0xffff  }
0x98: {  	v52 =	vor.u32 v13, v17;
	v24 =	vadd.f32 v33, v24;
	v25 =	vadd.f32 v34, v25;
	v49 =	vld.idx.msk [tilespmem:v46+s2+$0x0], $0xffff  }
0x99: {  	v54 =	vor.u32 v14, v17;
	v20 =	vadd.f32 v30, v20;
	v51 =	vld.idx.msk [tilespmem:v47+s2+$0x0], $0xffff;
	v26 =	vadd.f32 v31, v63  }
0x9a: {  	v45 =	vor.u32 v11, v17;
	v53 =	vld.idx.msk [tilespmem:v48+s2+$0x0], $0xffff;
	v24 =	vadd.f32 v35, v24;
	v25 =	vadd.f32 v36, v25  }
0x9b: {  	v57 =	vor.u32 v15, v17;
	v56 =	vld.idx.msk [tilespmem:v62+s2+$0x0], $0xffff;
	v18 =	vadd.f32 v18, v20;
	v55 =	vadd.f32 v21, v26  }
0x9c: {  	v17 =	vor.u32 v16, v17;
	v59 =	vld.idx.msk [tilespmem:v50+s2+$0x0], $0xffff;
	v24 =	vadd.f32 v37, v24;
	v25 =	vadd.f32 v38, v25  }
0x9d: {  	v61 =	vld.idx.msk [tilespmem:v52+s2+$0x0], $0xffff;
	v18 =	vadd.f32 v22, v18;
	v20 =	vadd.f32 v23, v55  }
0x9e: {  	v62 =	vld.idx.msk [tilespmem:v54+s2+$0x0], $0xffff;
	v60 =	vadd.f32 v39, v24;
	v19 =	vadd.f32 v19, v25  }
0x9f: {  	v58 =	vld.idx.msk [tilespmem:v45+s2+$0x0], $0xffff;
	v18 =	vadd.f32 v40, v18;
	v20 =	vadd.f32 v41, v20  }
0xa0: {  	v26 =	vld.idx.msk [tilespmem:v57+s2+$0x0], $0xffff;
	v23 =	vadd.f32 v42, v60;
	v19 =	vadd.f32 v43, v19  }
0xa1: {  	v17 =	vld.idx.msk [tilespmem:v17+s2+$0x0], $0xffff;
	v18 =	vadd.f32 v28, v18;
	v20 =	vadd.f32 v44, v20  }
0xa2: {  	v23 =	vadd.f32 v49, v23;
	v19 =	vadd.f32 v51, v19  }
0xa3: {  	v18 =	vadd.f32 v53, v18;
	v20 =	vadd.f32 v56, v20  }
0xa4: {  	v63 =	vadd.f32 v58, v23;
	v19 =	vadd.f32 v59, v19  }
0xa5: {  	v18 =	vadd.f32 v61, v18;
	v20 =	vadd.f32 v62, v20  }
0xa6: {  	v21 =	vadd.f32 v26, v63;
	v17 =	vadd.f32 v17, v19;
	_ =	sdelay $0x1  }
.Ltmp1:
0xa7: {  	v18 =	vadd.f32 v20, v18;
	v17 =	vadd.f32 v17, v21;
	(pc) =	sbr.rel @p0 .LBB2_2-.Ltmp1, $4  }
0xa8: {  	_ = 	snop  }
0xa9: {  	s12 =	sshll.u32 s12, $0x4;
	v17 =	vadd.f32 v17, v18  }
0xaa: {  	s12 =	sand.u32 $0x3FFFFFF0, s12  }
0xab: {  	p1 =	por $0x0, $0x0;
	[tilespmem:s12+$0x8000] =	vst v17;
	s12 =	simm.s32 $0x1  }
0xac: {  	s11 =	sadd.s32 $0x1, s11  }
0xad: {  	p0 =	sne.s32 s11, s5  }
.Ltmp2:
0xae: {  	_ = 	snop;
	(pc) =	sbr.rel @p0 .LBB2_1-.Ltmp2, $4  }
0xaf: {  	[hbm4b:s4+s2] =	stream.linear.scatter [tilespmem:s9], [sflag:$0x2], $0x20, $0x38;
	[tilespmem:$0x8080] =	vst v63  }
0xb0: {  	_ =	swait.ge [sflag:s10], $0x20  }
0xb1: {  	[sflag:s10] =	ssyncset.done $0x0  }
0xb2: {  	[sflag:s10] =	ssyncadd.s32 $0xFFFFFFE0  }
0xb3: {  	_ =	sfence.sel $0x180000  }
0xb4: {  	[bflag:$0x0] =	sbarrier.arrive $0xFFFF  }
0xb5: {  	p0 =	sne.s32 s1, $0x0;
	_ =	strace $0x90000047  }
0xb6: {  	s0 =	sadd.s32 @!p0 $0x100000, s0;
	[bflag:$0x2] =	sbarrier.arrive $0xFFFF  }
0xb7: {  	[sflag:s0] =	ssyncadd.tile.s32 @!p0 $0x1;
	_ =	shalt  }
.Lfunc_end2:
_tile_overlayer_lowered:
.L_overlay_start_2:
0xb8: {  	(tag) =	ssettag $0x2  }
0xb9: {  	s0 =	rddreg [dreg:$0x0];
	s2 =	stileid.u32  }
0xba: {  	s1 =	rddreg [dreg:$0x1];
	p0 =	sne.s32 s2, $0x0  }
0xbb: {  	s3 =	rddreg [dreg:$0x2];
	[bflag:$0x3] =	sbarrier.arrive $0xFFFF;
	s2 =	simm.s32 @!p0 $0x1C02  }
0xbc: {  	[timem:s3], [sflag:s2] =	dma.local @!p0 [hbm:s0], s1  }
0xbd: {  	s0 =	simm.s32 @!p0 $0x2  }
0xbe: {  	_ =	swait.ge @!p0 [sflag:s0], s1  }
0xbf: {  	s1 =	ssub.s32 @!p0 $0x0, s1;
	[sflag:s0] =	ssyncset.done @!p0 $0x0  }
0xc0: {  	[sflag:s0] =	ssyncadd.s32 @!p0 s1  }
0xc1: {  	[bflag:$0x3] =	sbarrier.arrive $0xFFFF  }
0xc2: {  	_ =	shalt  }

</sc_bundles>
